<compile_context>
chip_gen: v7x
topology: tpu7x:2x2x1
jax: 0.10.2.dev20260603
libtpu: 0.0.44.dev20260713+nightly
codegen_flags: <defaults>
</compile_context>

<pallas_src>
import functools

import jax
import jax.numpy as jnp
from jax import lax
from jax.experimental import pallas as pl
from jax.experimental.pallas import tpu as pltpu
from jax.experimental.pallas import tpu_sc as plsc

_D = 64
_STRIDE = 65
_GRP = 16


@functools.partial(jax.jit, static_argnums=(2, 3, 4))
def _embed_lookup_t(idx, table_flat, nc, ns, b_per_w):
    B = idx.shape[0]
    V = table_flat.shape[0] // _STRIDE
    mesh = plsc.VectorSubcoreMesh(core_axis_name="c", subcore_axis_name="s")

    @functools.partial(
        pl.kernel,
        mesh=mesh,
        out_type=jax.ShapeDtypeStruct((_D, B), jnp.float32),
        scratch_types=[
            pltpu.VMEM((V * _STRIDE,), jnp.float32),
            pltpu.VMEM((b_per_w,), jnp.int32),
            pltpu.VMEM((_D, b_per_w), jnp.float32),
            pltpu.SemaphoreType.DMA,
        ],
        compiler_params=pltpu.CompilerParams(
            needs_layout_passes=False, skip_device_barrier=True
        ),
    )
    def body(table_hbm, idx_hbm, out_hbm, tab_v, idx_v, buf, osem):
        wid = lax.axis_index("s") * nc + lax.axis_index("c")
        base = wid * b_per_w
        pltpu.sync_copy(table_hbm, tab_v)
        pltpu.sync_copy(idx_hbm.at[pl.ds(base, b_per_w)], idx_v)

        def step(g, carry):
            iv = idx_v[pl.ds(g * _GRP, _GRP)]
            fidx = iv * _STRIDE
            depth = 6
            pipe = [plsc.load_gather(tab_v, [fidx + k]) for k in range(depth)]
            for j in range(_D):
                if j + depth < _D:
                    pipe.append(
                        plsc.load_gather(tab_v, [fidx + (j + depth)])
                    )
                buf[j, pl.ds(g * _GRP, _GRP)] = pipe.pop(0)
            return carry

        n_grp = b_per_w // _GRP
        half_w = b_per_w // 2
        lax.fori_loop(0, n_grp // 2, step, 0)
        c1 = pltpu.async_copy(
            buf.at[:, pl.ds(0, half_w)],
            out_hbm.at[:, pl.ds(base, half_w)],
            osem,
        )
        lax.fori_loop(n_grp // 2, n_grp, step, 0)
        c2 = pltpu.async_copy(
            buf.at[:, pl.ds(half_w, half_w)],
            out_hbm.at[:, pl.ds(base + half_w, half_w)],
            osem,
        )
        c1.wait()
        c2.wait()

    return body(table_flat, idx)


def kernel(feature_names, emb_weight):
    idx = feature_names.astype(jnp.int32)
    table_flat = jnp.pad(
        emb_weight, ((0, 0), (0, _STRIDE - _D))
    ).reshape(-1)
    info = plsc.get_sparse_core_info()
    nc, ns = info.num_cores, info.num_subcores
    b_per_w = idx.shape[0] // (nc * ns)
    return _embed_lookup_t(idx, table_flat, nc, ns, b_per_w).T

# --- scband reference (transcript-rebuilt; emitter-appended) ---
"""Pipeline reference for scband-ontology-embedder-19894288515599 (READ-ONLY COPY).

The authoritative reference and input builder live on the scoring server;
editing this copy changes nothing except your own understanding.
"""

import jax, jax.numpy as jnp
import numpy as np

NUM_FEATURES = 100
EMB_DIM = 64
NUM_LOOKUPS = 16384

def setup_inputs(seed: int = 0) -> dict:
    key = jax.random.key(seed)
    k_idx, k_emb = jax.random.split(key)
    # The torch module maps feature-name strings -> integer indices via name_to_idx;
    # we model the post-mapping integer index tensor directly.
    feature_names = jax.random.randint(k_idx, (NUM_LOOKUPS,), 0, NUM_FEATURES, dtype=jnp.int64)
    emb_weight = jax.random.normal(k_emb, (NUM_FEATURES, EMB_DIM), dtype=jnp.float32)
    return {"feature_names": feature_names, "emb_weight": emb_weight}

def reference(feature_names, emb_weight):
    # nn.Embedding lookup: gather rows of the table by index
    return jnp.take(emb_weight, feature_names, axis=0)

if __name__ == "__main__":
    import jax
    _d = setup_inputs()
    print(jax.jit(kernel)(*tuple(_d.values())))

</pallas_src>

<mosaic_0001>
#map = affine_map<(d0, d1) -> (0)>
#map1 = affine_map<(d0, d1) -> (0, 0)>
module attributes {stable_mosaic.version = 14 : i64} {
  func.func @body(%arg0: i32, %arg1: i32, %arg2: memref<6500xf32, #tpu.memory_space<hbm>>, %arg3: memref<16384xi32, #tpu.memory_space<hbm>>, %arg4: memref<64x16384xf32, #tpu.memory_space<hbm>>, %arg5: memref<6500xf32, #tpu.memory_space<vmem>>, %arg6: memref<512xi32, #tpu.memory_space<vmem>>, %arg7: memref<64x512xf32, #tpu.memory_space<vmem>>, %arg8: memref<!tpu.dma_semaphore, #tpu.memory_space<semaphore_mem>>) attributes {dimension_semantics = [#tpu.dimension_semantics<core_parallel>, #tpu.dimension_semantics<subcore_parallel>], iteration_bounds = array<i64: 2, 16>, scalar_prefetch = 0 : i64, scratch_operands = 4 : i64, tpu.core_type = #tpu.core_type<sc_vector_subcore>, window_params = [{transform_indices = #map}, {transform_indices = #map}, {transform_indices = #map1}]} {
    %mul3A = arith.constant 2 : i32
    %mul3A_0 = arith.muli %arg1, %mul3A : i32
    %add3A = arith.addi %mul3A_0, %arg0 : i32
    %mul3A_1 = arith.constant 512 : i32
    %mul3A_2 = arith.muli %add3A, %mul3A_1 : i32
    "tpu.region"() ({
      %run_scoped3A = tpu.sem_alloc : memref<!tpu.dma_semaphore, #tpu.memory_space<semaphore_mem>>
      tpu.enqueue_dma source(%arg2 : memref<6500xf32, #tpu.memory_space<hbm>>) target(%arg5 : memref<6500xf32, #tpu.memory_space<vmem>>) target_semaphore(%run_scoped3A : memref<!tpu.dma_semaphore, #tpu.memory_space<semaphore_mem>>)
      tpu.wait_dma2 semaphore(%run_scoped3A : memref<!tpu.dma_semaphore, #tpu.memory_space<semaphore_mem>>) src(%arg2 : memref<6500xf32, #tpu.memory_space<hbm>>) dst(%arg5 : memref<6500xf32, #tpu.memory_space<vmem>>)
      tpu.yield
    }) : () -> ()
    "tpu.region"() ({
      %run_scoped3A = tpu.sem_alloc : memref<!tpu.dma_semaphore, #tpu.memory_space<semaphore_mem>>
      %dma_start3A_54 = tpu.memref_slice %arg3[%mul3A_2] : memref<16384xi32, #tpu.memory_space<hbm>> -> memref<512xi32, #tpu.memory_space<hbm>>
      %dma_start3A_55 = tpu.memref_slice %arg3[%mul3A_2] : memref<16384xi32, #tpu.memory_space<hbm>> -> memref<512xi32, #tpu.memory_space<hbm>>
      tpu.enqueue_dma source(%dma_start3A_55 : memref<512xi32, #tpu.memory_space<hbm>>) target(%arg6 : memref<512xi32, #tpu.memory_space<vmem>>) target_semaphore(%run_scoped3A : memref<!tpu.dma_semaphore, #tpu.memory_space<semaphore_mem>>)
      %dma_wait3A_56 = tpu.memref_slice %arg3[%mul3A_2] : memref<16384xi32, #tpu.memory_space<hbm>> -> memref<512xi32, #tpu.memory_space<hbm>>
      %dma_wait3A_57 = tpu.memref_slice %arg3[%mul3A_2] : memref<16384xi32, #tpu.memory_space<hbm>> -> memref<512xi32, #tpu.memory_space<hbm>>
      tpu.wait_dma2 semaphore(%run_scoped3A : memref<!tpu.dma_semaphore, #tpu.memory_space<semaphore_mem>>) src(%dma_wait3A_57 : memref<512xi32, #tpu.memory_space<hbm>>) dst(%arg6 : memref<512xi32, #tpu.memory_space<vmem>>)
      tpu.yield
    }) : () -> ()
    %scan3A = arith.constant 0 : i32
    %scan3A_3 = arith.constant 0 : i32
    %scan3A_4 = arith.constant 16 : i32
    %scan3A_5 = arith.addi %scan3A_3, %scan3A_4 : i32
    %scan3A_6 = arith.constant 1 : i32
    scf.for %scan3A_54 = %scan3A_3 to %scan3A_5 step %scan3A_6  : i32 {
      %mul3A_55 = arith.constant 16 : i32
      %mul3A_56 = arith.muli %scan3A_54, %mul3A_55 : i32
      %get3A = arith.index_cast %mul3A_56 : i32 to index
      %get3A_57 = tpu.vector_load %arg6[%get3A] {strides = array<i32>} : memref<512xi32, #tpu.memory_space<vmem>>, vector<16xi32>,
      %mul3A_58 = arith.constant 65 : i32
      %mul3A_59 = vector.broadcast %mul3A_58 : i32 to vector<16xi32>
      %mul3A_60 = arith.muli %get3A_57, %mul3A_59 : vector<16xi32>
      %add3A_61 = arith.constant 0 : i32
      %add3A_62 = vector.broadcast %add3A_61 : i32 to vector<16xi32>
      %add3A_63 = arith.addi %mul3A_60, %add3A_62 : vector<16xi32>
      %gather3A = tpu.vector_load_idx %arg5[%add3A_63] : memref<6500xf32, #tpu.memory_space<vmem>>[vector<16xi32>], vector<16xf32>,
      %add3A_64 = arith.constant 1 : i32
      %add3A_65 = vector.broadcast %add3A_64 : i32 to vector<16xi32>
      %add3A_66 = arith.addi %mul3A_60, %add3A_65 : vector<16xi32>
      %gather3A_67 = tpu.vector_load_idx %arg5[%add3A_66] : memref<6500xf32, #tpu.memory_space<vmem>>[vector<16xi32>], vector<16xf32>,
      %add3A_68 = arith.constant 2 : i32
      %add3A_69 = vector.broadcast %add3A_68 : i32 to vector<16xi32>
      %add3A_70 = arith.addi %mul3A_60, %add3A_69 : vector<16xi32>
      %gather3A_71 = tpu.vector_load_idx %arg5[%add3A_70] : memref<6500xf32, #tpu.memory_space<vmem>>[vector<16xi32>], vector<16xf32>,
      %add3A_72 = arith.constant 3 : i32
      %add3A_73 = vector.broadcast %add3A_72 : i32 to vector<16xi32>
      %add3A_74 = arith.addi %mul3A_60, %add3A_73 : vector<16xi32>
      %gather3A_75 = tpu.vector_load_idx %arg5[%add3A_74] : memref<6500xf32, #tpu.memory_space<vmem>>[vector<16xi32>], vector<16xf32>,
      %add3A_76 = arith.constant 4 : i32
      %add3A_77 = vector.broadcast %add3A_76 : i32 to vector<16xi32>
      %add3A_78 = arith.addi %mul3A_60, %add3A_77 : vector<16xi32>
      %gather3A_79 = tpu.vector_load_idx %arg5[%add3A_78] : memref<6500xf32, #tpu.memory_space<vmem>>[vector<16xi32>], vector<16xf32>,
      %add3A_80 = arith.constant 5 : i32
      %add3A_81 = vector.broadcast %add3A_80 : i32 to vector<16xi32>
      %add3A_82 = arith.addi %mul3A_60, %add3A_81 : vector<16xi32>
      %gather3A_83 = tpu.vector_load_idx %arg5[%add3A_82] : memref<6500xf32, #tpu.memory_space<vmem>>[vector<16xi32>], vector<16xf32>,
      %add3A_84 = arith.constant 6 : i32
      %add3A_85 = vector.broadcast %add3A_84 : i32 to vector<16xi32>
      %add3A_86 = arith.addi %mul3A_60, %add3A_85 : vector<16xi32>
      %gather3A_87 = tpu.vector_load_idx %arg5[%add3A_86] : memref<6500xf32, #tpu.memory_space<vmem>>[vector<16xi32>], vector<16xf32>,
      %mul3A_88 = arith.constant 16 : i32
      %mul3A_89 = arith.muli %scan3A_54, %mul3A_88 : i32
      %swap3A = arith.constant 0 : i32
      %swap3A_90 = arith.index_cast %swap3A : i32 to index
      %swap3A_91 = arith.index_cast %mul3A_89 : i32 to index
      %swap3A_92 = tpu.vector_load %arg7[%swap3A_90, %swap3A_91] {strides = array<i32>} : memref<64x512xf32, #tpu.memory_space<vmem>>, vector<16xf32>,
      tpu.vector_store %arg7[%swap3A_90, %swap3A_91], %gather3A {strides = array<i32>} : memref<64x512xf32, #tpu.memory_space<vmem>>, vector<16xf32>,
      %add3A_93 = arith.constant 7 : i32
      %add3A_94 = vector.broadcast %add3A_93 : i32 to vector<16xi32>
      %add3A_95 = arith.addi %mul3A_60, %add3A_94 : vector<16xi32>
      %gather3A_96 = tpu.vector_load_idx %arg5[%add3A_95] : memref<6500xf32, #tpu.memory_space<vmem>>[vector<16xi32>], vector<16xf32>,
      %mul3A_97 = arith.constant 16 : i32
      %mul3A_98 = arith.muli %scan3A_54, %mul3A_97 : i32
      %swap3A_99 = arith.constant 1 : i32
      %swap3A_100 = arith.index_cast %swap3A_99 : i32 to index
      %swap3A_101 = arith.index_cast %mul3A_98 : i32 to index
      %swap3A_102 = tpu.vector_load %arg7[%swap3A_100, %swap3A_101] {strides = array<i32>} : memref<64x512xf32, #tpu.memory_space<vmem>>, vector<16xf32>,
      tpu.vector_store %arg7[%swap3A_100, %swap3A_101], %gather3A_67 {strides = array<i32>} : memref<64x512xf32, #tpu.memory_space<vmem>>, vector<16xf32>,
      %add3A_103 = arith.constant 8 : i32
      %add3A_104 = vector.broadcast %add3A_103 : i32 to vector<16xi32>
      %add3A_105 = arith.addi %mul3A_60, %add3A_104 : vector<16xi32>
      %gather3A_106 = tpu.vector_load_idx %arg5[%add3A_105] : memref<6500xf32, #tpu.memory_space<vmem>>[vector<16xi32>], vector<16xf32>,
      %mul3A_107 = arith.constant 16 : i32
      %mul3A_108 = arith.muli %scan3A_54, %mul3A_107 : i32
      %swap3A_109 = arith.constant 2 : i32
      %swap3A_110 = arith.index_cast %swap3A_109 : i32 to index
      %swap3A_111 = arith.index_cast %mul3A_108 : i32 to index
      %swap3A_112 = tpu.vector_load %arg7[%swap3A_110, %swap3A_111] {strides = array<i32>} : memref<64x512xf32, #tpu.memory_space<vmem>>, vector<16xf32>,
      tpu.vector_store %arg7[%swap3A_110, %swap3A_111], %gather3A_71 {strides = array<i32>} : memref<64x512xf32, #tpu.memory_space<vmem>>, vector<16xf32>,
      %add3A_113 = arith.constant 9 : i32
      %add3A_114 = vector.broadcast %add3A_113 : i32 to vector<16xi32>
      %add3A_115 = arith.addi %mul3A_60, %add3A_114 : vector<16xi32>
      %gather3A_116 = tpu.vector_load_idx %arg5[%add3A_115] : memref<6500xf32, #tpu.memory_space<vmem>>[vector<16xi32>], vector<16xf32>,
      %mul3A_117 = arith.constant 16 : i32
      %mul3A_118 = arith.muli %scan3A_54, %mul3A_117 : i32
      %swap3A_119 = arith.constant 3 : i32
      %swap3A_120 = arith.index_cast %swap3A_119 : i32 to index
      %swap3A_121 = arith.index_cast %mul3A_118 : i32 to index
      %swap3A_122 = tpu.vector_load %arg7[%swap3A_120, %swap3A_121] {strides = array<i32>} : memref<64x512xf32, #tpu.memory_space<vmem>>, vector<16xf32>,
      tpu.vector_store %arg7[%swap3A_120, %swap3A_121], %gather3A_75 {strides = array<i32>} : memref<64x512xf32, #tpu.memory_space<vmem>>, vector<16xf32>,
      %add3A_123 = arith.constant 10 : i32
      %add3A_124 = vector.broadcast %add3A_123 : i32 to vector<16xi32>
      %add3A_125 = arith.addi %mul3A_60, %add3A_124 : vector<16xi32>
      %gather3A_126 = tpu.vector_load_idx %arg5[%add3A_125] : memref<6500xf32, #tpu.memory_space<vmem>>[vector<16xi32>], vector<16xf32>,
      %mul3A_127 = arith.constant 16 : i32
      %mul3A_128 = arith.muli %scan3A_54, %mul3A_127 : i32
      %swap3A_129 = arith.constant 4 : i32
      %swap3A_130 = arith.index_cast %swap3A_129 : i32 to index
      %swap3A_131 = arith.index_cast %mul3A_128 : i32 to index
      %swap3A_132 = tpu.vector_load %arg7[%swap3A_130, %swap3A_131] {strides = array<i32>} : memref<64x512xf32, #tpu.memory_space<vmem>>, vector<16xf32>,
      tpu.vector_store %arg7[%swap3A_130, %swap3A_131], %gather3A_79 {strides = array<i32>} : memref<64x512xf32, #tpu.memory_space<vmem>>, vector<16xf32>,
      %add3A_133 = arith.constant 11 : i32
      %add3A_134 = vector.broadcast %add3A_133 : i32 to vector<16xi32>
      %add3A_135 = arith.addi %mul3A_60, %add3A_134 : vector<16xi32>
      %gather3A_136 = tpu.vector_load_idx %arg5[%add3A_135] : memref<6500xf32, #tpu.memory_space<vmem>>[vector<16xi32>], vector<16xf32>,
      %mul3A_137 = arith.constant 16 : i32
      %mul3A_138 = arith.muli %scan3A_54, %mul3A_137 : i32
      %swap3A_139 = arith.constant 5 : i32
      %swap3A_140 = arith.index_cast %swap3A_139 : i32 to index
      %swap3A_141 = arith.index_cast %mul3A_138 : i32 to index
      %swap3A_142 = tpu.vector_load %arg7[%swap3A_140, %swap3A_141] {strides = array<i32>} : memref<64x512xf32, #tpu.memory_space<vmem>>, vector<16xf32>,
      tpu.vector_store %arg7[%swap3A_140, %swap3A_141], %gather3A_83 {strides = array<i32>} : memref<64x512xf32, #tpu.memory_space<vmem>>, vector<16xf32>,
      %add3A_143 = arith.constant 12 : i32
      %add3A_144 = vector.broadcast %add3A_143 : i32 to vector<16xi32>
      %add3A_145 = arith.addi %mul3A_60, %add3A_144 : vector<16xi32>
      %gather3A_146 = tpu.vector_load_idx %arg5[%add3A_145] : memref<6500xf32, #tpu.memory_space<vmem>>[vector<16xi32>], vector<16xf32>,
      %mul3A_147 = arith.constant 16 : i32
      %mul3A_148 = arith.muli %scan3A_54, %mul3A_147 : i32
      %swap3A_149 = arith.constant 6 : i32
      %swap3A_150 = arith.index_cast %swap3A_149 : i32 to index
      %swap3A_151 = arith.index_cast %mul3A_148 : i32 to index
      %swap3A_152 = tpu.vector_load %arg7[%swap3A_150, %swap3A_151] {strides = array<i32>} : memref<64x512xf32, #tpu.memory_space<vmem>>, vector<16xf32>,
      tpu.vector_store %arg7[%swap3A_150, %swap3A_151], %gather3A_87 {strides = array<i32>} : memref<64x512xf32, #tpu.memory_space<vmem>>, vector<16xf32>,
      %add3A_153 = arith.constant 13 : i32
      %add3A_154 = vector.broadcast %add3A_153 : i32 to vector<16xi32>
      %add3A_155 = arith.addi %mul3A_60, %add3A_154 : vector<16xi32>
      %gather3A_156 = tpu.vector_load_idx %arg5[%add3A_155] : memref<6500xf32, #tpu.memory_space<vmem>>[vector<16xi32>], vector<16xf32>,
      %mul3A_157 = arith.constant 16 : i32
      %mul3A_158 = arith.muli %scan3A_54, %mul3A_157 : i32
      %swap3A_159 = arith.constant 7 : i32
      %swap3A_160 = arith.index_cast %swap3A_159 : i32 to index
      %swap3A_161 = arith.index_cast %mul3A_158 : i32 to index
      %swap3A_162 = tpu.vector_load %arg7[%swap3A_160, %swap3A_161] {strides = array<i32>} : memref<64x512xf32, #tpu.memory_space<vmem>>, vector<16xf32>,
      tpu.vector_store %arg7[%swap3A_160, %swap3A_161], %gather3A_96 {strides = array<i32>} : memref<64x512xf32, #tpu.memory_space<vmem>>, vector<16xf32>,
      %add3A_163 = arith.constant 14 : i32
      %add3A_164 = vector.broadcast %add3A_163 : i32 to vector<16xi32>
      %add3A_165 = arith.addi %mul3A_60, %add3A_164 : vector<16xi32>
      %gather3A_166 = tpu.vector_load_idx %arg5[%add3A_165] : memref<6500xf32, #tpu.memory_space<vmem>>[vector<16xi32>], vector<16xf32>,
      %mul3A_167 = arith.constant 16 : i32
      %mul3A_168 = arith.muli %scan3A_54, %mul3A_167 : i32
      %swap3A_169 = arith.constant 8 : i32
      %swap3A_170 = arith.index_cast %swap3A_169 : i32 to index
      %swap3A_171 = arith.index_cast %mul3A_168 : i32 to index
      %swap3A_172 = tpu.vector_load %arg7[%swap3A_170, %swap3A_171] {strides = array<i32>} : memref<64x512xf32, #tpu.memory_space<vmem>>, vector<16xf32>,
      tpu.vector_store %arg7[%swap3A_170, %swap3A_171], %gather3A_106 {strides = array<i32>} : memref<64x512xf32, #tpu.memory_space<vmem>>, vector<16xf32>,
      %add3A_173 = arith.constant 15 : i32
      %add3A_174 = vector.broadcast %add3A_173 : i32 to vector<16xi32>
      %add3A_175 = arith.addi %mul3A_60, %add3A_174 : vector<16xi32>
      %gather3A_176 = tpu.vector_load_idx %arg5[%add3A_175] : memref<6500xf32, #tpu.memory_space<vmem>>[vector<16xi32>], vector<16xf32>,
      %mul3A_177 = arith.constant 16 : i32
      %mul3A_178 = arith.muli %scan3A_54, %mul3A_177 : i32
      %swap3A_179 = arith.constant 9 : i32
      %swap3A_180 = arith.index_cast %swap3A_179 : i32 to index
      %swap3A_181 = arith.index_cast %mul3A_178 : i32 to index
      %swap3A_182 = tpu.vector_load %arg7[%swap3A_180, %swap3A_181] {strides = array<i32>} : memref<64x512xf32, #tpu.memory_space<vmem>>, vector<16xf32>,
      tpu.vector_store %arg7[%swap3A_180, %swap3A_181], %gather3A_116 {strides = array<i32>} : memref<64x512xf32, #tpu.memory_space<vmem>>, vector<16xf32>,
      %add3A_183 = arith.constant 16 : i32
      %add3A_184 = vector.broadcast %add3A_183 : i32 to vector<16xi32>
      %add3A_185 = arith.addi %mul3A_60, %add3A_184 : vector<16xi32>
      %gather3A_186 = tpu.vector_load_idx %arg5[%add3A_185] : memref<6500xf32, #tpu.memory_space<vmem>>[vector<16xi32>], vector<16xf32>,
      %mul3A_187 = arith.constant 16 : i32
      %mul3A_188 = arith.muli %scan3A_54, %mul3A_187 : i32
      %swap3A_189 = arith.constant 10 : i32
      %swap3A_190 = arith.index_cast %swap3A_189 : i32 to index
      %swap3A_191 = arith.index_cast %mul3A_188 : i32 to index
      %swap3A_192 = tpu.vector_load %arg7[%swap3A_190, %swap3A_191] {strides = array<i32>} : memref<64x512xf32, #tpu.memory_space<vmem>>, vector<16xf32>,
      tpu.vector_store %arg7[%swap3A_190, %swap3A_191], %gather3A_126 {strides = array<i32>} : memref<64x512xf32, #tpu.memory_space<vmem>>, vector<16xf32>,
      %add3A_193 = arith.constant 17 : i32
      %add3A_194 = vector.broadcast %add3A_193 : i32 to vector<16xi32>
      %add3A_195 = arith.addi %mul3A_60, %add3A_194 : vector<16xi32>
      %gather3A_196 = tpu.vector_load_idx %arg5[%add3A_195] : memref<6500xf32, #tpu.memory_space<vmem>>[vector<16xi32>], vector<16xf32>,
      %mul3A_197 = arith.constant 16 : i32
      %mul3A_198 = arith.muli %scan3A_54, %mul3A_197 : i32
      %swap3A_199 = arith.constant 11 : i32
      %swap3A_200 = arith.index_cast %swap3A_199 : i32 to index
      %swap3A_201 = arith.index_cast %mul3A_198 : i32 to index
      %swap3A_202 = tpu.vector_load %arg7[%swap3A_200, %swap3A_201] {strides = array<i32>} : memref<64x512xf32, #tpu.memory_space<vmem>>, vector<16xf32>,
      tpu.vector_store %arg7[%swap3A_200, %swap3A_201], %gather3A_136 {strides = array<i32>} : memref<64x512xf32, #tpu.memory_space<vmem>>, vector<16xf32>,
      %add3A_203 = arith.constant 18 : i32
      %add3A_204 = vector.broadcast %add3A_203 : i32 to vector<16xi32>
      %add3A_205 = arith.addi %mul3A_60, %add3A_204 : vector<16xi32>
      %gather3A_206 = tpu.vector_load_idx %arg5[%add3A_205] : memref<6500xf32, #tpu.memory_space<vmem>>[vector<16xi32>], vector<16xf32>,
      %mul3A_207 = arith.constant 16 : i32
      %mul3A_208 = arith.muli %scan3A_54, %mul3A_207 : i32
      %swap3A_209 = arith.constant 12 : i32
      %swap3A_210 = arith.index_cast %swap3A_209 : i32 to index
      %swap3A_211 = arith.index_cast %mul3A_208 : i32 to index
      %swap3A_212 = tpu.vector_load %arg7[%swap3A_210, %swap3A_211] {strides = array<i32>} : memref<64x512xf32, #tpu.memory_space<vmem>>, vector<16xf32>,
      tpu.vector_store %arg7[%swap3A_210, %swap3A_211], %gather3A_146 {strides = array<i32>} : memref<64x512xf32, #tpu.memory_space<vmem>>, vector<16xf32>,
      %add3A_213 = arith.constant 19 : i32
      %add3A_214 = vector.broadcast %add3A_213 : i32 to vector<16xi32>
      %add3A_215 = arith.addi %mul3A_60, %add3A_214 : vector<16xi32>
      %gather3A_216 = tpu.vector_load_idx %arg5[%add3A_215] : memref<6500xf32, #tpu.memory_space<vmem>>[vector<16xi32>], vector<16xf32>,
      %mul3A_217 = arith.constant 16 : i32
      %mul3A_218 = arith.muli %scan3A_54, %mul3A_217 : i32
      %swap3A_219 = arith.constant 13 : i32
      %swap3A_220 = arith.index_cast %swap3A_219 : i32 to index
      %swap3A_221 = arith.index_cast %mul3A_218 : i32 to index
      %swap3A_222 = tpu.vector_load %arg7[%swap3A_220, %swap3A_221] {strides = array<i32>} : memref<64x512xf32, #tpu.memory_space<vmem>>, vector<16xf32>,
      tpu.vector_store %arg7[%swap3A_220, %swap3A_221], %gather3A_156 {strides = array<i32>} : memref<64x512xf32, #tpu.memory_space<vmem>>, vector<16xf32>,
      %add3A_223 = arith.constant 20 : i32
      %add3A_224 = vector.broadcast %add3A_223 : i32 to vector<16xi32>
      %add3A_225 = arith.addi %mul3A_60, %add3A_224 : vector<16xi32>
      %gather3A_226 = tpu.vector_load_idx %arg5[%add3A_225] : memref<6500xf32, #tpu.memory_space<vmem>>[vector<16xi32>], vector<16xf32>,
      %mul3A_227 = arith.constant 16 : i32
      %mul3A_228 = arith.muli %scan3A_54, %mul3A_227 : i32
      %swap3A_229 = arith.constant 14 : i32
      %swap3A_230 = arith.index_cast %swap3A_229 : i32 to index
      %swap3A_231 = arith.index_cast %mul3A_228 : i32 to index
      %swap3A_232 = tpu.vector_load %arg7[%swap3A_230, %swap3A_231] {strides = array<i32>} : memref<64x512xf32, #tpu.memory_space<vmem>>, vector<16xf32>,
      tpu.vector_store %arg7[%swap3A_230, %swap3A_231], %gather3A_166 {strides = array<i32>} : memref<64x512xf32, #tpu.memory_space<vmem>>, vector<16xf32>,
      %add3A_233 = arith.constant 21 : i32
      %add3A_234 = vector.broadcast %add3A_233 : i32 to vector<16xi32>
      %add3A_235 = arith.addi %mul3A_60, %add3A_234 : vector<16xi32>
      %gather3A_236 = tpu.vector_load_idx %arg5[%add3A_235] : memref<6500xf32, #tpu.memory_space<vmem>>[vector<16xi32>], vector<16xf32>,
      %mul3A_237 = arith.constant 16 : i32
      %mul3A_238 = arith.muli %scan3A_54, %mul3A_237 : i32
      %swap3A_239 = arith.constant 15 : i32
      %swap3A_240 = arith.index_cast %swap3A_239 : i32 to index
      %swap3A_241 = arith.index_cast %mul3A_238 : i32 to index
      %swap3A_242 = tpu.vector_load %arg7[%swap3A_240, %swap3A_241] {strides = array<i32>} : memref<64x512xf32, #tpu.memory_space<vmem>>, vector<16xf32>,
      tpu.vector_store %arg7[%swap3A_240, %swap3A_241], %gather3A_176 {strides = array<i32>} : memref<64x512xf32, #tpu.memory_space<vmem>>, vector<16xf32>,
      %add3A_243 = arith.constant 22 : i32
      %add3A_244 = vector.broadcast %add3A_243 : i32 to vector<16xi32>
      %add3A_245 = arith.addi %mul3A_60, %add3A_244 : vector<16xi32>
      %gather3A_246 = tpu.vector_load_idx %arg5[%add3A_245] : memref<6500xf32, #tpu.memory_space<vmem>>[vector<16xi32>], vector<16xf32>,
      %mul3A_247 = arith.constant 16 : i32
      %mul3A_248 = arith.muli %scan3A_54, %mul3A_247 : i32
      %swap3A_249 = arith.constant 16 : i32
      %swap3A_250 = arith.index_cast %swap3A_249 : i32 to index
      %swap3A_251 = arith.index_cast %mul3A_248 : i32 to index
      %swap3A_252 = tpu.vector_load %arg7[%swap3A_250, %swap3A_251] {strides = array<i32>} : memref<64x512xf32, #tpu.memory_space<vmem>>, vector<16xf32>,
      tpu.vector_store %arg7[%swap3A_250, %swap3A_251], %gather3A_186 {strides = array<i32>} : memref<64x512xf32, #tpu.memory_space<vmem>>, vector<16xf32>,
      %add3A_253 = arith.constant 23 : i32
      %add3A_254 = vector.broadcast %add3A_253 : i32 to vector<16xi32>
      %add3A_255 = arith.addi %mul3A_60, %add3A_254 : vector<16xi32>
      %gather3A_256 = tpu.vector_load_idx %arg5[%add3A_255] : memref<6500xf32, #tpu.memory_space<vmem>>[vector<16xi32>], vector<16xf32>,
      %mul3A_257 = arith.constant 16 : i32
      %mul3A_258 = arith.muli %scan3A_54, %mul3A_257 : i32
      %swap3A_259 = arith.constant 17 : i32
      %swap3A_260 = arith.index_cast %swap3A_259 : i32 to index
      %swap3A_261 = arith.index_cast %mul3A_258 : i32 to index
      %swap3A_262 = tpu.vector_load %arg7[%swap3A_260, %swap3A_261] {strides = array<i32>} : memref<64x512xf32, #tpu.memory_space<vmem>>, vector<16xf32>,
      tpu.vector_store %arg7[%swap3A_260, %swap3A_261], %gather3A_196 {strides = array<i32>} : memref<64x512xf32, #tpu.memory_space<vmem>>, vector<16xf32>,
      %add3A_263 = arith.constant 24 : i32
      %add3A_264 = vector.broadcast %add3A_263 : i32 to vector<16xi32>
      %add3A_265 = arith.addi %mul3A_60, %add3A_264 : vector<16xi32>
      %gather3A_266 = tpu.vector_load_idx %arg5[%add3A_265] : memref<6500xf32, #tpu.memory_space<vmem>>[vector<16xi32>], vector<16xf32>,
      %mul3A_267 = arith.constant 16 : i32
      %mul3A_268 = arith.muli %scan3A_54, %mul3A_267 : i32
      %swap3A_269 = arith.constant 18 : i32
      %swap3A_270 = arith.index_cast %swap3A_269 : i32 to index
      %swap3A_271 = arith.index_cast %mul3A_268 : i32 to index
      %swap3A_272 = tpu.vector_load %arg7[%swap3A_270, %swap3A_271] {strides = array<i32>} : memref<64x512xf32, #tpu.memory_space<vmem>>, vector<16xf32>,
      tpu.vector_store %arg7[%swap3A_270, %swap3A_271], %gather3A_206 {strides = array<i32>} : memref<64x512xf32, #tpu.memory_space<vmem>>, vector<16xf32>,
      %add3A_273 = arith.constant 25 : i32
      %add3A_274 = vector.broadcast %add3A_273 : i32 to vector<16xi32>
      %add3A_275 = arith.addi %mul3A_60, %add3A_274 : vector<16xi32>
      %gather3A_276 = tpu.vector_load_idx %arg5[%add3A_275] : memref<6500xf32, #tpu.memory_space<vmem>>[vector<16xi32>], vector<16xf32>,
      %mul3A_277 = arith.constant 16 : i32
      %mul3A_278 = arith.muli %scan3A_54, %mul3A_277 : i32
      %swap3A_279 = arith.constant 19 : i32
      %swap3A_280 = arith.index_cast %swap3A_279 : i32 to index
      %swap3A_281 = arith.index_cast %mul3A_278 : i32 to index
      %swap3A_282 = tpu.vector_load %arg7[%swap3A_280, %swap3A_281] {strides = array<i32>} : memref<64x512xf32, #tpu.memory_space<vmem>>, vector<16xf32>,
      tpu.vector_store %arg7[%swap3A_280, %swap3A_281], %gather3A_216 {strides = array<i32>} : memref<64x512xf32, #tpu.memory_space<vmem>>, vector<16xf32>,
      %add3A_283 = arith.constant 26 : i32
      %add3A_284 = vector.broadcast %add3A_283 : i32 to vector<16xi32>
      %add3A_285 = arith.addi %mul3A_60, %add3A_284 : vector<16xi32>
      %gather3A_286 = tpu.vector_load_idx %arg5[%add3A_285] : memref<6500xf32, #tpu.memory_space<vmem>>[vector<16xi32>], vector<16xf32>,
      %mul3A_287 = arith.constant 16 : i32
      %mul3A_288 = arith.muli %scan3A_54, %mul3A_287 : i32
      %swap3A_289 = arith.constant 20 : i32
      %swap3A_290 = arith.index_cast %swap3A_289 : i32 to index
      %swap3A_291 = arith.index_cast %mul3A_288 : i32 to index
      %swap3A_292 = tpu.vector_load %arg7[%swap3A_290, %swap3A_291] {strides = array<i32>} : memref<64x512xf32, #tpu.memory_space<vmem>>, vector<16xf32>,
      tpu.vector_store %arg7[%swap3A_290, %swap3A_291], %gather3A_226 {strides = array<i32>} : memref<64x512xf32, #tpu.memory_space<vmem>>, vector<16xf32>,
      %add3A_293 = arith.constant 27 : i32
      %add3A_294 = vector.broadcast %add3A_293 : i32 to vector<16xi32>
      %add3A_295 = arith.addi %mul3A_60, %add3A_294 : vector<16xi32>
      %gather3A_296 = tpu.vector_load_idx %arg5[%add3A_295] : memref<6500xf32, #tpu.memory_space<vmem>>[vector<16xi32>], vector<16xf32>,
      %mul3A_297 = arith.constant 16 : i32
      %mul3A_298 = arith.muli %scan3A_54, %mul3A_297 : i32
      %swap3A_299 = arith.constant 21 : i32
      %swap3A_300 = arith.index_cast %swap3A_299 : i32 to index
      %swap3A_301 = arith.index_cast %mul3A_298 : i32 to index
      %swap3A_302 = tpu.vector_load %arg7[%swap3A_300, %swap3A_301] {strides = array<i32>} : memref<64x512xf32, #tpu.memory_space<vmem>>, vector<16xf32>,
      tpu.vector_store %arg7[%swap3A_300, %swap3A_301], %gather3A_236 {strides = array<i32>} : memref<64x512xf32, #tpu.memory_space<vmem>>, vector<16xf32>,
      %add3A_303 = arith.constant 28 : i32
      %add3A_304 = vector.broadcast %add3A_303 : i32 to vector<16xi32>
      %add3A_305 = arith.addi %mul3A_60, %add3A_304 : vector<16xi32>
      %gather3A_306 = tpu.vector_load_idx %arg5[%add3A_305] : memref<6500xf32, #tpu.memory_space<vmem>>[vector<16xi32>], vector<16xf32>,
      %mul3A_307 = arith.constant 16 : i32
      %mul3A_308 = arith.muli %scan3A_54, %mul3A_307 : i32
      %swap3A_309 = arith.constant 22 : i32
      %swap3A_310 = arith.index_cast %swap3A_309 : i32 to index
      %swap3A_311 = arith.index_cast %mul3A_308 : i32 to index
      %swap3A_312 = tpu.vector_load %arg7[%swap3A_310, %swap3A_311] {strides = array<i32>} : memref<64x512xf32, #tpu.memory_space<vmem>>, vector<16xf32>,
      tpu.vector_store %arg7[%swap3A_310, %swap3A_311], %gather3A_246 {strides = array<i32>} : memref<64x512xf32, #tpu.memory_space<vmem>>, vector<16xf32>,
      %add3A_313 = arith.constant 29 : i32
      %add3A_314 = vector.broadcast %add3A_313 : i32 to vector<16xi32>
      %add3A_315 = arith.addi %mul3A_60, %add3A_314 : vector<16xi32>
      %gather3A_316 = tpu.vector_load_idx %arg5[%add3A_315] : memref<6500xf32, #tpu.memory_space<vmem>>[vector<16xi32>], vector<16xf32>,
      %mul3A_317 = arith.constant 16 : i32
      %mul3A_318 = arith.muli %scan3A_54, %mul3A_317 : i32
      %swap3A_319 = arith.constant 23 : i32
      %swap3A_320 = arith.index_cast %swap3A_319 : i32 to index
      %swap3A_321 = arith.index_cast %mul3A_318 : i32 to index
      %swap3A_322 = tpu.vector_load %arg7[%swap3A_320, %swap3A_321] {strides = array<i32>} : memref<64x512xf32, #tpu.memory_space<vmem>>, vector<16xf32>,
      tpu.vector_store %arg7[%swap3A_320, %swap3A_321], %gather3A_256 {strides = array<i32>} : memref<64x512xf32, #tpu.memory_space<vmem>>, vector<16xf32>,
      %add3A_323 = arith.constant 30 : i32
      %add3A_324 = vector.broadcast %add3A_323 : i32 to vector<16xi32>
      %add3A_325 = arith.addi %mul3A_60, %add3A_324 : vector<16xi32>
      %gather3A_326 = tpu.vector_load_idx %arg5[%add3A_325] : memref<6500xf32, #tpu.memory_space<vmem>>[vector<16xi32>], vector<16xf32>,
      %mul3A_327 = arith.constant 16 : i32
      %mul3A_328 = arith.muli %scan3A_54, %mul3A_327 : i32
      %swap3A_329 = arith.constant 24 : i32
      %swap3A_330 = arith.index_cast %swap3A_329 : i32 to index
      %swap3A_331 = arith.index_cast %mul3A_328 : i32 to index
      %swap3A_332 = tpu.vector_load %arg7[%swap3A_330, %swap3A_331] {strides = array<i32>} : memref<64x512xf32, #tpu.memory_space<vmem>>, vector<16xf32>,
      tpu.vector_store %arg7[%swap3A_330, %swap3A_331], %gather3A_266 {strides = array<i32>} : memref<64x512xf32, #tpu.memory_space<vmem>>, vector<16xf32>,
      %add3A_333 = arith.constant 31 : i32
      %add3A_334 = vector.broadcast %add3A_333 : i32 to vector<16xi32>
      %add3A_335 = arith.addi %mul3A_60, %add3A_334 : vector<16xi32>
      %gather3A_336 = tpu.vector_load_idx %arg5[%add3A_335] : memref<6500xf32, #tpu.memory_space<vmem>>[vector<16xi32>], vector<16xf32>,
      %mul3A_337 = arith.constant 16 : i32
      %mul3A_338 = arith.muli %scan3A_54, %mul3A_337 : i32
      %swap3A_339 = arith.constant 25 : i32
      %swap3A_340 = arith.index_cast %swap3A_339 : i32 to index
      %swap3A_341 = arith.index_cast %mul3A_338 : i32 to index
      %swap3A_342 = tpu.vector_load %arg7[%swap3A_340, %swap3A_341] {strides = array<i32>} : memref<64x512xf32, #tpu.memory_space<vmem>>, vector<16xf32>,
      tpu.vector_store %arg7[%swap3A_340, %swap3A_341], %gather3A_276 {strides = array<i32>} : memref<64x512xf32, #tpu.memory_space<vmem>>, vector<16xf32>,
      %add3A_343 = arith.constant 32 : i32
      %add3A_344 = vector.broadcast %add3A_343 : i32 to vector<16xi32>
      %add3A_345 = arith.addi %mul3A_60, %add3A_344 : vector<16xi32>
      %gather3A_346 = tpu.vector_load_idx %arg5[%add3A_345] : memref<6500xf32, #tpu.memory_space<vmem>>[vector<16xi32>], vector<16xf32>,
      %mul3A_347 = arith.constant 16 : i32
      %mul3A_348 = arith.muli %scan3A_54, %mul3A_347 : i32
      %swap3A_349 = arith.constant 26 : i32
      %swap3A_350 = arith.index_cast %swap3A_349 : i32 to index
      %swap3A_351 = arith.index_cast %mul3A_348 : i32 to index
      %swap3A_352 = tpu.vector_load %arg7[%swap3A_350, %swap3A_351] {strides = array<i32>} : memref<64x512xf32, #tpu.memory_space<vmem>>, vector<16xf32>,
      tpu.vector_store %arg7[%swap3A_350, %swap3A_351], %gather3A_286 {strides = array<i32>} : memref<64x512xf32, #tpu.memory_space<vmem>>, vector<16xf32>,
      %add3A_353 = arith.constant 33 : i32
      %add3A_354 = vector.broadcast %add3A_353 : i32 to vector<16xi32>
      %add3A_355 = arith.addi %mul3A_60, %add3A_354 : vector<16xi32>
      %gather3A_356 = tpu.vector_load_idx %arg5[%add3A_355] : memref<6500xf32, #tpu.memory_space<vmem>>[vector<16xi32>], vector<16xf32>,
      %mul3A_357 = arith.constant 16 : i32
      %mul3A_358 = arith.muli %scan3A_54, %mul3A_357 : i32
      %swap3A_359 = arith.constant 27 : i32
      %swap3A_360 = arith.index_cast %swap3A_359 : i32 to index
      %swap3A_361 = arith.index_cast %mul3A_358 : i32 to index
      %swap3A_362 = tpu.vector_load %arg7[%swap3A_360, %swap3A_361] {strides = array<i32>} : memref<64x512xf32, #tpu.memory_space<vmem>>, vector<16xf32>,
      tpu.vector_store %arg7[%swap3A_360, %swap3A_361], %gather3A_296 {strides = array<i32>} : memref<64x512xf32, #tpu.memory_space<vmem>>, vector<16xf32>,
      %add3A_363 = arith.constant 34 : i32
      %add3A_364 = vector.broadcast %add3A_363 : i32 to vector<16xi32>
      %add3A_365 = arith.addi %mul3A_60, %add3A_364 : vector<16xi32>
      %gather3A_366 = tpu.vector_load_idx %arg5[%add3A_365] : memref<6500xf32, #tpu.memory_space<vmem>>[vector<16xi32>], vector<16xf32>,
      %mul3A_367 = arith.constant 16 : i32
      %mul3A_368 = arith.muli %scan3A_54, %mul3A_367 : i32
      %swap3A_369 = arith.constant 28 : i32
      %swap3A_370 = arith.index_cast %swap3A_369 : i32 to index
      %swap3A_371 = arith.index_cast %mul3A_368 : i32 to index
      %swap3A_372 = tpu.vector_load %arg7[%swap3A_370, %swap3A_371] {strides = array<i32>} : memref<64x512xf32, #tpu.memory_space<vmem>>, vector<16xf32>,
      tpu.vector_store %arg7[%swap3A_370, %swap3A_371], %gather3A_306 {strides = array<i32>} : memref<64x512xf32, #tpu.memory_space<vmem>>, vector<16xf32>,
      %add3A_373 = arith.constant 35 : i32
      %add3A_374 = vector.broadcast %add3A_373 : i32 to vector<16xi32>
      %add3A_375 = arith.addi %mul3A_60, %add3A_374 : vector<16xi32>
      %gather3A_376 = tpu.vector_load_idx %arg5[%add3A_375] : memref<6500xf32, #tpu.memory_space<vmem>>[vector<16xi32>], vector<16xf32>,
      %mul3A_377 = arith.constant 16 : i32
      %mul3A_378 = arith.muli %scan3A_54, %mul3A_377 : i32
      %swap3A_379 = arith.constant 29 : i32
      %swap3A_380 = arith.index_cast %swap3A_379 : i32 to index
      %swap3A_381 = arith.index_cast %mul3A_378 : i32 to index
      %swap3A_382 = tpu.vector_load %arg7[%swap3A_380, %swap3A_381] {strides = array<i32>} : memref<64x512xf32, #tpu.memory_space<vmem>>, vector<16xf32>,
      tpu.vector_store %arg7[%swap3A_380, %swap3A_381], %gather3A_316 {strides = array<i32>} : memref<64x512xf32, #tpu.memory_space<vmem>>, vector<16xf32>,
      %add3A_383 = arith.constant 36 : i32
      %add3A_384 = vector.broadcast %add3A_383 : i32 to vector<16xi32>
      %add3A_385 = arith.addi %mul3A_60, %add3A_384 : vector<16xi32>
      %gather3A_386 = tpu.vector_load_idx %arg5[%add3A_385] : memref<6500xf32, #tpu.memory_space<vmem>>[vector<16xi32>], vector<16xf32>,
      %mul3A_387 = arith.constant 16 : i32
      %mul3A_388 = arith.muli %scan3A_54, %mul3A_387 : i32
      %swap3A_389 = arith.constant 30 : i32
      %swap3A_390 = arith.index_cast %swap3A_389 : i32 to index
      %swap3A_391 = arith.index_cast %mul3A_388 : i32 to index
      %swap3A_392 = tpu.vector_load %arg7[%swap3A_390, %swap3A_391] {strides = array<i32>} : memref<64x512xf32, #tpu.memory_space<vmem>>, vector<16xf32>,
      tpu.vector_store %arg7[%swap3A_390, %swap3A_391], %gather3A_326 {strides = array<i32>} : memref<64x512xf32, #tpu.memory_space<vmem>>, vector<16xf32>,
      %add3A_393 = arith.constant 37 : i32
      %add3A_394 = vector.broadcast %add3A_393 : i32 to vector<16xi32>
      %add3A_395 = arith.addi %mul3A_60, %add3A_394 : vector<16xi32>
      %gather3A_396 = tpu.vector_load_idx %arg5[%add3A_395] : memref<6500xf32, #tpu.memory_space<vmem>>[vector<16xi32>], vector<16xf32>,
      %mul3A_397 = arith.constant 16 : i32
      %mul3A_398 = arith.muli %scan3A_54, %mul3A_397 : i32
      %swap3A_399 = arith.constant 31 : i32
      %swap3A_400 = arith.index_cast %swap3A_399 : i32 to index
      %swap3A_401 = arith.index_cast %mul3A_398 : i32 to index
      %swap3A_402 = tpu.vector_load %arg7[%swap3A_400, %swap3A_401] {strides = array<i32>} : memref<64x512xf32, #tpu.memory_space<vmem>>, vector<16xf32>,
      tpu.vector_store %arg7[%swap3A_400, %swap3A_401], %gather3A_336 {strides = array<i32>} : memref<64x512xf32, #tpu.memory_space<vmem>>, vector<16xf32>,
      %add3A_403 = arith.constant 38 : i32
      %add3A_404 = vector.broadcast %add3A_403 : i32 to vector<16xi32>
      %add3A_405 = arith.addi %mul3A_60, %add3A_404 : vector<16xi32>
      %gather3A_406 = tpu.vector_load_idx %arg5[%add3A_405] : memref<6500xf32, #tpu.memory_space<vmem>>[vector<16xi32>], vector<16xf32>,
      %mul3A_407 = arith.constant 16 : i32
      %mul3A_408 = arith.muli %scan3A_54, %mul3A_407 : i32
      %swap3A_409 = arith.constant 32 : i32
      %swap3A_410 = arith.index_cast %swap3A_409 : i32 to index
      %swap3A_411 = arith.index_cast %mul3A_408 : i32 to index
      %swap3A_412 = tpu.vector_load %arg7[%swap3A_410, %swap3A_411] {strides = array<i32>} : memref<64x512xf32, #tpu.memory_space<vmem>>, vector<16xf32>,
      tpu.vector_store %arg7[%swap3A_410, %swap3A_411], %gather3A_346 {strides = array<i32>} : memref<64x512xf32, #tpu.memory_space<vmem>>, vector<16xf32>,
      %add3A_413 = arith.constant 39 : i32
      %add3A_414 = vector.broadcast %add3A_413 : i32 to vector<16xi32>
      %add3A_415 = arith.addi %mul3A_60, %add3A_414 : vector<16xi32>
      %gather3A_416 = tpu.vector_load_idx %arg5[%add3A_415] : memref<6500xf32, #tpu.memory_space<vmem>>[vector<16xi32>], vector<16xf32>,
      %mul3A_417 = arith.constant 16 : i32
      %mul3A_418 = arith.muli %scan3A_54, %mul3A_417 : i32
      %swap3A_419 = arith.constant 33 : i32
      %swap3A_420 = arith.index_cast %swap3A_419 : i32 to index
      %swap3A_421 = arith.index_cast %mul3A_418 : i32 to index
      %swap3A_422 = tpu.vector_load %arg7[%swap3A_420, %swap3A_421] {strides = array<i32>} : memref<64x512xf32, #tpu.memory_space<vmem>>, vector<16xf32>,
      tpu.vector_store %arg7[%swap3A_420, %swap3A_421], %gather3A_356 {strides = array<i32>} : memref<64x512xf32, #tpu.memory_space<vmem>>, vector<16xf32>,
      %add3A_423 = arith.constant 40 : i32
      %add3A_424 = vector.broadcast %add3A_423 : i32 to vector<16xi32>
      %add3A_425 = arith.addi %mul3A_60, %add3A_424 : vector<16xi32>
      %gather3A_426 = tpu.vector_load_idx %arg5[%add3A_425] : memref<6500xf32, #tpu.memory_space<vmem>>[vector<16xi32>], vector<16xf32>,
      %mul3A_427 = arith.constant 16 : i32
      %mul3A_428 = arith.muli %scan3A_54, %mul3A_427 : i32
      %swap3A_429 = arith.constant 34 : i32
      %swap3A_430 = arith.index_cast %swap3A_429 : i32 to index
      %swap3A_431 = arith.index_cast %mul3A_428 : i32 to index
      %swap3A_432 = tpu.vector_load %arg7[%swap3A_430, %swap3A_431] {strides = array<i32>} : memref<64x512xf32, #tpu.memory_space<vmem>>, vector<16xf32>,
      tpu.vector_store %arg7[%swap3A_430, %swap3A_431], %gather3A_366 {strides = array<i32>} : memref<64x512xf32, #tpu.memory_space<vmem>>, vector<16xf32>,
      %add3A_433 = arith.constant 41 : i32
      %add3A_434 = vector.broadcast %add3A_433 : i32 to vector<16xi32>
      %add3A_435 = arith.addi %mul3A_60, %add3A_434 : vector<16xi32>
      %gather3A_436 = tpu.vector_load_idx %arg5[%add3A_435] : memref<6500xf32, #tpu.memory_space<vmem>>[vector<16xi32>], vector<16xf32>,
      %mul3A_437 = arith.constant 16 : i32
      %mul3A_438 = arith.muli %scan3A_54, %mul3A_437 : i32
      %swap3A_439 = arith.constant 35 : i32
      %swap3A_440 = arith.index_cast %swap3A_439 : i32 to index
      %swap3A_441 = arith.index_cast %mul3A_438 : i32 to index
      %swap3A_442 = tpu.vector_load %arg7[%swap3A_440, %swap3A_441] {strides = array<i32>} : memref<64x512xf32, #tpu.memory_space<vmem>>, vector<16xf32>,
      tpu.vector_store %arg7[%swap3A_440, %swap3A_441], %gather3A_376 {strides = array<i32>} : memref<64x512xf32, #tpu.memory_space<vmem>>, vector<16xf32>,
      %add3A_443 = arith.constant 42 : i32
      %add3A_444 = vector.broadcast %add3A_443 : i32 to vector<16xi32>
      %add3A_445 = arith.addi %mul3A_60, %add3A_444 : vector<16xi32>
      %gather3A_446 = tpu.vector_load_idx %arg5[%add3A_445] : memref<6500xf32, #tpu.memory_space<vmem>>[vector<16xi32>], vector<16xf32>,
      %mul3A_447 = arith.constant 16 : i32
      %mul3A_448 = arith.muli %scan3A_54, %mul3A_447 : i32
      %swap3A_449 = arith.constant 36 : i32
      %swap3A_450 = arith.index_cast %swap3A_449 : i32 to index
      %swap3A_451 = arith.index_cast %mul3A_448 : i32 to index
      %swap3A_452 = tpu.vector_load %arg7[%swap3A_450, %swap3A_451] {strides = array<i32>} : memref<64x512xf32, #tpu.memory_space<vmem>>, vector<16xf32>,
      tpu.vector_store %arg7[%swap3A_450, %swap3A_451], %gather3A_386 {strides = array<i32>} : memref<64x512xf32, #tpu.memory_space<vmem>>, vector<16xf32>,
      %add3A_453 = arith.constant 43 : i32
      %add3A_454 = vector.broadcast %add3A_453 : i32 to vector<16xi32>
      %add3A_455 = arith.addi %mul3A_60, %add3A_454 : vector<16xi32>
      %gather3A_456 = tpu.vector_load_idx %arg5[%add3A_455] : memref<6500xf32, #tpu.memory_space<vmem>>[vector<16xi32>], vector<16xf32>,
      %mul3A_457 = arith.constant 16 : i32
      %mul3A_458 = arith.muli %scan3A_54, %mul3A_457 : i32
      %swap3A_459 = arith.constant 37 : i32
      %swap3A_460 = arith.index_cast %swap3A_459 : i32 to index
      %swap3A_461 = arith.index_cast %mul3A_458 : i32 to index
      %swap3A_462 = tpu.vector_load %arg7[%swap3A_460, %swap3A_461] {strides = array<i32>} : memref<64x512xf32, #tpu.memory_space<vmem>>, vector<16xf32>,
      tpu.vector_store %arg7[%swap3A_460, %swap3A_461], %gather3A_396 {strides = array<i32>} : memref<64x512xf32, #tpu.memory_space<vmem>>, vector<16xf32>,
      %add3A_463 = arith.constant 44 : i32
      %add3A_464 = vector.broadcast %add3A_463 : i32 to vector<16xi32>
      %add3A_465 = arith.addi %mul3A_60, %add3A_464 : vector<16xi32>
      %gather3A_466 = tpu.vector_load_idx %arg5[%add3A_465] : memref<6500xf32, #tpu.memory_space<vmem>>[vector<16xi32>], vector<16xf32>,
      %mul3A_467 = arith.constant 16 : i32
      %mul3A_468 = arith.muli %scan3A_54, %mul3A_467 : i32
      %swap3A_469 = arith.constant 38 : i32
      %swap3A_470 = arith.index_cast %swap3A_469 : i32 to index
      %swap3A_471 = arith.index_cast %mul3A_468 : i32 to index
      %swap3A_472 = tpu.vector_load %arg7[%swap3A_470, %swap3A_471] {strides = array<i32>} : memref<64x512xf32, #tpu.memory_space<vmem>>, vector<16xf32>,
      tpu.vector_store %arg7[%swap3A_470, %swap3A_471], %gather3A_406 {strides = array<i32>} : memref<64x512xf32, #tpu.memory_space<vmem>>, vector<16xf32>,
      %add3A_473 = arith.constant 45 : i32
      %add3A_474 = vector.broadcast %add3A_473 : i32 to vector<16xi32>
      %add3A_475 = arith.addi %mul3A_60, %add3A_474 : vector<16xi32>
      %gather3A_476 = tpu.vector_load_idx %arg5[%add3A_475] : memref<6500xf32, #tpu.memory_space<vmem>>[vector<16xi32>], vector<16xf32>,
      %mul3A_477 = arith.constant 16 : i32
      %mul3A_478 = arith.muli %scan3A_54, %mul3A_477 : i32
      %swap3A_479 = arith.constant 39 : i32
      %swap3A_480 = arith.index_cast %swap3A_479 : i32 to index
      %swap3A_481 = arith.index_cast %mul3A_478 : i32 to index
      %swap3A_482 = tpu.vector_load %arg7[%swap3A_480, %swap3A_481] {strides = array<i32>} : memref<64x512xf32, #tpu.memory_space<vmem>>, vector<16xf32>,
      tpu.vector_store %arg7[%swap3A_480, %swap3A_481], %gather3A_416 {strides = array<i32>} : memref<64x512xf32, #tpu.memory_space<vmem>>, vector<16xf32>,
      %add3A_483 = arith.constant 46 : i32
      %add3A_484 = vector.broadcast %add3A_483 : i32 to vector<16xi32>
      %add3A_485 = arith.addi %mul3A_60, %add3A_484 : vector<16xi32>
      %gather3A_486 = tpu.vector_load_idx %arg5[%add3A_485] : memref<6500xf32, #tpu.memory_space<vmem>>[vector<16xi32>], vector<16xf32>,
      %mul3A_487 = arith.constant 16 : i32
      %mul3A_488 = arith.muli %scan3A_54, %mul3A_487 : i32
      %swap3A_489 = arith.constant 40 : i32
      %swap3A_490 = arith.index_cast %swap3A_489 : i32 to index
      %swap3A_491 = arith.index_cast %mul3A_488 : i32 to index
      %swap3A_492 = tpu.vector_load %arg7[%swap3A_490, %swap3A_491] {strides = array<i32>} : memref<64x512xf32, #tpu.memory_space<vmem>>, vector<16xf32>,
      tpu.vector_store %arg7[%swap3A_490, %swap3A_491], %gather3A_426 {strides = array<i32>} : memref<64x512xf32, #tpu.memory_space<vmem>>, vector<16xf32>,
      %add3A_493 = arith.constant 47 : i32
      %add3A_494 = vector.broadcast %add3A_493 : i32 to vector<16xi32>
      %add3A_495 = arith.addi %mul3A_60, %add3A_494 : vector<16xi32>
      %gather3A_496 = tpu.vector_load_idx %arg5[%add3A_495] : memref<6500xf32, #tpu.memory_space<vmem>>[vector<16xi32>], vector<16xf32>,
      %mul3A_497 = arith.constant 16 : i32
      %mul3A_498 = arith.muli %scan3A_54, %mul3A_497 : i32
      %swap3A_499 = arith.constant 41 : i32
      %swap3A_500 = arith.index_cast %swap3A_499 : i32 to index
      %swap3A_501 = arith.index_cast %mul3A_498 : i32 to index
      %swap3A_502 = tpu.vector_load %arg7[%swap3A_500, %swap3A_501] {strides = array<i32>} : memref<64x512xf32, #tpu.memory_space<vmem>>, vector<16xf32>,
      tpu.vector_store %arg7[%swap3A_500, %swap3A_501], %gather3A_436 {strides = array<i32>} : memref<64x512xf32, #tpu.memory_space<vmem>>, vector<16xf32>,
      %add3A_503 = arith.constant 48 : i32
      %add3A_504 = vector.broadcast %add3A_503 : i32 to vector<16xi32>
      %add3A_505 = arith.addi %mul3A_60, %add3A_504 : vector<16xi32>
      %gather3A_506 = tpu.vector_load_idx %arg5[%add3A_505] : memref<6500xf32, #tpu.memory_space<vmem>>[vector<16xi32>], vector<16xf32>,
      %mul3A_507 = arith.constant 16 : i32
      %mul3A_508 = arith.muli %scan3A_54, %mul3A_507 : i32
      %swap3A_509 = arith.constant 42 : i32
      %swap3A_510 = arith.index_cast %swap3A_509 : i32 to index
      %swap3A_511 = arith.index_cast %mul3A_508 : i32 to index
      %swap3A_512 = tpu.vector_load %arg7[%swap3A_510, %swap3A_511] {strides = array<i32>} : memref<64x512xf32, #tpu.memory_space<vmem>>, vector<16xf32>,
      tpu.vector_store %arg7[%swap3A_510, %swap3A_511], %gather3A_446 {strides = array<i32>} : memref<64x512xf32, #tpu.memory_space<vmem>>, vector<16xf32>,
      %add3A_513 = arith.constant 49 : i32
      %add3A_514 = vector.broadcast %add3A_513 : i32 to vector<16xi32>
      %add3A_515 = arith.addi %mul3A_60, %add3A_514 : vector<16xi32>
      %gather3A_516 = tpu.vector_load_idx %arg5[%add3A_515] : memref<6500xf32, #tpu.memory_space<vmem>>[vector<16xi32>], vector<16xf32>,
      %mul3A_517 = arith.constant 16 : i32
      %mul3A_518 = arith.muli %scan3A_54, %mul3A_517 : i32
      %swap3A_519 = arith.constant 43 : i32
      %swap3A_520 = arith.index_cast %swap3A_519 : i32 to index
      %swap3A_521 = arith.index_cast %mul3A_518 : i32 to index
      %swap3A_522 = tpu.vector_load %arg7[%swap3A_520, %swap3A_521] {strides = array<i32>} : memref<64x512xf32, #tpu.memory_space<vmem>>, vector<16xf32>,
      tpu.vector_store %arg7[%swap3A_520, %swap3A_521], %gather3A_456 {strides = array<i32>} : memref<64x512xf32, #tpu.memory_space<vmem>>, vector<16xf32>,
      %add3A_523 = arith.constant 50 : i32
      %add3A_524 = vector.broadcast %add3A_523 : i32 to vector<16xi32>
      %add3A_525 = arith.addi %mul3A_60, %add3A_524 : vector<16xi32>
      %gather3A_526 = tpu.vector_load_idx %arg5[%add3A_525] : memref<6500xf32, #tpu.memory_space<vmem>>[vector<16xi32>], vector<16xf32>,
      %mul3A_527 = arith.constant 16 : i32
      %mul3A_528 = arith.muli %scan3A_54, %mul3A_527 : i32
      %swap3A_529 = arith.constant 44 : i32
      %swap3A_530 = arith.index_cast %swap3A_529 : i32 to index
      %swap3A_531 = arith.index_cast %mul3A_528 : i32 to index
      %swap3A_532 = tpu.vector_load %arg7[%swap3A_530, %swap3A_531] {strides = array<i32>} : memref<64x512xf32, #tpu.memory_space<vmem>>, vector<16xf32>,
      tpu.vector_store %arg7[%swap3A_530, %swap3A_531], %gather3A_466 {strides = array<i32>} : memref<64x512xf32, #tpu.memory_space<vmem>>, vector<16xf32>,
      %add3A_533 = arith.constant 51 : i32
      %add3A_534 = vector.broadcast %add3A_533 : i32 to vector<16xi32>
      %add3A_535 = arith.addi %mul3A_60, %add3A_534 : vector<16xi32>
      %gather3A_536 = tpu.vector_load_idx %arg5[%add3A_535] : memref<6500xf32, #tpu.memory_space<vmem>>[vector<16xi32>], vector<16xf32>,
      %mul3A_537 = arith.constant 16 : i32
      %mul3A_538 = arith.muli %scan3A_54, %mul3A_537 : i32
      %swap3A_539 = arith.constant 45 : i32
      %swap3A_540 = arith.index_cast %swap3A_539 : i32 to index
      %swap3A_541 = arith.index_cast %mul3A_538 : i32 to index
      %swap3A_542 = tpu.vector_load %arg7[%swap3A_540, %swap3A_541] {strides = array<i32>} : memref<64x512xf32, #tpu.memory_space<vmem>>, vector<16xf32>,
      tpu.vector_store %arg7[%swap3A_540, %swap3A_541], %gather3A_476 {strides = array<i32>} : memref<64x512xf32, #tpu.memory_space<vmem>>, vector<16xf32>,
      %add3A_543 = arith.constant 52 : i32
      %add3A_544 = vector.broadcast %add3A_543 : i32 to vector<16xi32>
      %add3A_545 = arith.addi %mul3A_60, %add3A_544 : vector<16xi32>
      %gather3A_546 = tpu.vector_load_idx %arg5[%add3A_545] : memref<6500xf32, #tpu.memory_space<vmem>>[vector<16xi32>], vector<16xf32>,
      %mul3A_547 = arith.constant 16 : i32
      %mul3A_548 = arith.muli %scan3A_54, %mul3A_547 : i32
      %swap3A_549 = arith.constant 46 : i32
      %swap3A_550 = arith.index_cast %swap3A_549 : i32 to index
      %swap3A_551 = arith.index_cast %mul3A_548 : i32 to index
      %swap3A_552 = tpu.vector_load %arg7[%swap3A_550, %swap3A_551] {strides = array<i32>} : memref<64x512xf32, #tpu.memory_space<vmem>>, vector<16xf32>,
      tpu.vector_store %arg7[%swap3A_550, %swap3A_551], %gather3A_486 {strides = array<i32>} : memref<64x512xf32, #tpu.memory_space<vmem>>, vector<16xf32>,
      %add3A_553 = arith.constant 53 : i32
      %add3A_554 = vector.broadcast %add3A_553 : i32 to vector<16xi32>
      %add3A_555 = arith.addi %mul3A_60, %add3A_554 : vector<16xi32>
      %gather3A_556 = tpu.vector_load_idx %arg5[%add3A_555] : memref<6500xf32, #tpu.memory_space<vmem>>[vector<16xi32>], vector<16xf32>,
      %mul3A_557 = arith.constant 16 : i32
      %mul3A_558 = arith.muli %scan3A_54, %mul3A_557 : i32
      %swap3A_559 = arith.constant 47 : i32
      %swap3A_560 = arith.index_cast %swap3A_559 : i32 to index
      %swap3A_561 = arith.index_cast %mul3A_558 : i32 to index
      %swap3A_562 = tpu.vector_load %arg7[%swap3A_560, %swap3A_561] {strides = array<i32>} : memref<64x512xf32, #tpu.memory_space<vmem>>, vector<16xf32>,
      tpu.vector_store %arg7[%swap3A_560, %swap3A_561], %gather3A_496 {strides = array<i32>} : memref<64x512xf32, #tpu.memory_space<vmem>>, vector<16xf32>,
      %add3A_563 = arith.constant 54 : i32
      %add3A_564 = vector.broadcast %add3A_563 : i32 to vector<16xi32>
      %add3A_565 = arith.addi %mul3A_60, %add3A_564 : vector<16xi32>
      %gather3A_566 = tpu.vector_load_idx %arg5[%add3A_565] : memref<6500xf32, #tpu.memory_space<vmem>>[vector<16xi32>], vector<16xf32>,
      %mul3A_567 = arith.constant 16 : i32
      %mul3A_568 = arith.muli %scan3A_54, %mul3A_567 : i32
      %swap3A_569 = arith.constant 48 : i32
      %swap3A_570 = arith.index_cast %swap3A_569 : i32 to index
      %swap3A_571 = arith.index_cast %mul3A_568 : i32 to index
      %swap3A_572 = tpu.vector_load %arg7[%swap3A_570, %swap3A_571] {strides = array<i32>} : memref<64x512xf32, #tpu.memory_space<vmem>>, vector<16xf32>,
      tpu.vector_store %arg7[%swap3A_570, %swap3A_571], %gather3A_506 {strides = array<i32>} : memref<64x512xf32, #tpu.memory_space<vmem>>, vector<16xf32>,
      %add3A_573 = arith.constant 55 : i32
      %add3A_574 = vector.broadcast %add3A_573 : i32 to vector<16xi32>
      %add3A_575 = arith.addi %mul3A_60, %add3A_574 : vector<16xi32>
      %gather3A_576 = tpu.vector_load_idx %arg5[%add3A_575] : memref<6500xf32, #tpu.memory_space<vmem>>[vector<16xi32>], vector<16xf32>,
      %mul3A_577 = arith.constant 16 : i32
      %mul3A_578 = arith.muli %scan3A_54, %mul3A_577 : i32
      %swap3A_579 = arith.constant 49 : i32
      %swap3A_580 = arith.index_cast %swap3A_579 : i32 to index
      %swap3A_581 = arith.index_cast %mul3A_578 : i32 to index
      %swap3A_582 = tpu.vector_load %arg7[%swap3A_580, %swap3A_581] {strides = array<i32>} : memref<64x512xf32, #tpu.memory_space<vmem>>, vector<16xf32>,
      tpu.vector_store %arg7[%swap3A_580, %swap3A_581], %gather3A_516 {strides = array<i32>} : memref<64x512xf32, #tpu.memory_space<vmem>>, vector<16xf32>,
      %add3A_583 = arith.constant 56 : i32
      %add3A_584 = vector.broadcast %add3A_583 : i32 to vector<16xi32>
      %add3A_585 = arith.addi %mul3A_60, %add3A_584 : vector<16xi32>
      %gather3A_586 = tpu.vector_load_idx %arg5[%add3A_585] : memref<6500xf32, #tpu.memory_space<vmem>>[vector<16xi32>], vector<16xf32>,
      %mul3A_587 = arith.constant 16 : i32
      %mul3A_588 = arith.muli %scan3A_54, %mul3A_587 : i32
      %swap3A_589 = arith.constant 50 : i32
      %swap3A_590 = arith.index_cast %swap3A_589 : i32 to index
      %swap3A_591 = arith.index_cast %mul3A_588 : i32 to index
      %swap3A_592 = tpu.vector_load %arg7[%swap3A_590, %swap3A_591] {strides = array<i32>} : memref<64x512xf32, #tpu.memory_space<vmem>>, vector<16xf32>,
      tpu.vector_store %arg7[%swap3A_590, %swap3A_591], %gather3A_526 {strides = array<i32>} : memref<64x512xf32, #tpu.memory_space<vmem>>, vector<16xf32>,
      %add3A_593 = arith.constant 57 : i32
      %add3A_594 = vector.broadcast %add3A_593 : i32 to vector<16xi32>
      %add3A_595 = arith.addi %mul3A_60, %add3A_594 : vector<16xi32>
      %gather3A_596 = tpu.vector_load_idx %arg5[%add3A_595] : memref<6500xf32, #tpu.memory_space<vmem>>[vector<16xi32>], vector<16xf32>,
      %mul3A_597 = arith.constant 16 : i32
      %mul3A_598 = arith.muli %scan3A_54, %mul3A_597 : i32
      %swap3A_599 = arith.constant 51 : i32
      %swap3A_600 = arith.index_cast %swap3A_599 : i32 to index
      %swap3A_601 = arith.index_cast %mul3A_598 : i32 to index
      %swap3A_602 = tpu.vector_load %arg7[%swap3A_600, %swap3A_601] {strides = array<i32>} : memref<64x512xf32, #tpu.memory_space<vmem>>, vector<16xf32>,
      tpu.vector_store %arg7[%swap3A_600, %swap3A_601], %gather3A_536 {strides = array<i32>} : memref<64x512xf32, #tpu.memory_space<vmem>>, vector<16xf32>,
      %add3A_603 = arith.constant 58 : i32
      %add3A_604 = vector.broadcast %add3A_603 : i32 to vector<16xi32>
      %add3A_605 = arith.addi %mul3A_60, %add3A_604 : vector<16xi32>
      %gather3A_606 = tpu.vector_load_idx %arg5[%add3A_605] : memref<6500xf32, #tpu.memory_space<vmem>>[vector<16xi32>], vector<16xf32>,
      %mul3A_607 = arith.constant 16 : i32
      %mul3A_608 = arith.muli %scan3A_54, %mul3A_607 : i32
      %swap3A_609 = arith.constant 52 : i32
      %swap3A_610 = arith.index_cast %swap3A_609 : i32 to index
      %swap3A_611 = arith.index_cast %mul3A_608 : i32 to index
      %swap3A_612 = tpu.vector_load %arg7[%swap3A_610, %swap3A_611] {strides = array<i32>} : memref<64x512xf32, #tpu.memory_space<vmem>>, vector<16xf32>,
      tpu.vector_store %arg7[%swap3A_610, %swap3A_611], %gather3A_546 {strides = array<i32>} : memref<64x512xf32, #tpu.memory_space<vmem>>, vector<16xf32>,
      %add3A_613 = arith.constant 59 : i32
      %add3A_614 = vector.broadcast %add3A_613 : i32 to vector<16xi32>
      %add3A_615 = arith.addi %mul3A_60, %add3A_614 : vector<16xi32>
      %gather3A_616 = tpu.vector_load_idx %arg5[%add3A_615] : memref<6500xf32, #tpu.memory_space<vmem>>[vector<16xi32>], vector<16xf32>,
      %mul3A_617 = arith.constant 16 : i32
      %mul3A_618 = arith.muli %scan3A_54, %mul3A_617 : i32
      %swap3A_619 = arith.constant 53 : i32
      %swap3A_620 = arith.index_cast %swap3A_619 : i32 to index
      %swap3A_621 = arith.index_cast %mul3A_618 : i32 to index
      %swap3A_622 = tpu.vector_load %arg7[%swap3A_620, %swap3A_621] {strides = array<i32>} : memref<64x512xf32, #tpu.memory_space<vmem>>, vector<16xf32>,
      tpu.vector_store %arg7[%swap3A_620, %swap3A_621], %gather3A_556 {strides = array<i32>} : memref<64x512xf32, #tpu.memory_space<vmem>>, vector<16xf32>,
      %add3A_623 = arith.constant 60 : i32
      %add3A_624 = vector.broadcast %add3A_623 : i32 to vector<16xi32>
      %add3A_625 = arith.addi %mul3A_60, %add3A_624 : vector<16xi32>
      %gather3A_626 = tpu.vector_load_idx %arg5[%add3A_625] : memref<6500xf32, #tpu.memory_space<vmem>>[vector<16xi32>], vector<16xf32>,
      %mul3A_627 = arith.constant 16 : i32
      %mul3A_628 = arith.muli %scan3A_54, %mul3A_627 : i32
      %swap3A_629 = arith.constant 54 : i32
      %swap3A_630 = arith.index_cast %swap3A_629 : i32 to index
      %swap3A_631 = arith.index_cast %mul3A_628 : i32 to index
      %swap3A_632 = tpu.vector_load %arg7[%swap3A_630, %swap3A_631] {strides = array<i32>} : memref<64x512xf32, #tpu.memory_space<vmem>>, vector<16xf32>,
      tpu.vector_store %arg7[%swap3A_630, %swap3A_631], %gather3A_566 {strides = array<i32>} : memref<64x512xf32, #tpu.memory_space<vmem>>, vector<16xf32>,
      %add3A_633 = arith.constant 61 : i32
      %add3A_634 = vector.broadcast %add3A_633 : i32 to vector<16xi32>
      %add3A_635 = arith.addi %mul3A_60, %add3A_634 : vector<16xi32>
      %gather3A_636 = tpu.vector_load_idx %arg5[%add3A_635] : memref<6500xf32, #tpu.memory_space<vmem>>[vector<16xi32>], vector<16xf32>,
      %mul3A_637 = arith.constant 16 : i32
      %mul3A_638 = arith.muli %scan3A_54, %mul3A_637 : i32
      %swap3A_639 = arith.constant 55 : i32
      %swap3A_640 = arith.index_cast %swap3A_639 : i32 to index
      %swap3A_641 = arith.index_cast %mul3A_638 : i32 to index
      %swap3A_642 = tpu.vector_load %arg7[%swap3A_640, %swap3A_641] {strides = array<i32>} : memref<64x512xf32, #tpu.memory_space<vmem>>, vector<16xf32>,
      tpu.vector_store %arg7[%swap3A_640, %swap3A_641], %gather3A_576 {strides = array<i32>} : memref<64x512xf32, #tpu.memory_space<vmem>>, vector<16xf32>,
      %add3A_643 = arith.constant 62 : i32
      %add3A_644 = vector.broadcast %add3A_643 : i32 to vector<16xi32>
      %add3A_645 = arith.addi %mul3A_60, %add3A_644 : vector<16xi32>
      %gather3A_646 = tpu.vector_load_idx %arg5[%add3A_645] : memref<6500xf32, #tpu.memory_space<vmem>>[vector<16xi32>], vector<16xf32>,
      %mul3A_647 = arith.constant 16 : i32
      %mul3A_648 = arith.muli %scan3A_54, %mul3A_647 : i32
      %swap3A_649 = arith.constant 56 : i32
      %swap3A_650 = arith.index_cast %swap3A_649 : i32 to index
      %swap3A_651 = arith.index_cast %mul3A_648 : i32 to index
      %swap3A_652 = tpu.vector_load %arg7[%swap3A_650, %swap3A_651] {strides = array<i32>} : memref<64x512xf32, #tpu.memory_space<vmem>>, vector<16xf32>,
      tpu.vector_store %arg7[%swap3A_650, %swap3A_651], %gather3A_586 {strides = array<i32>} : memref<64x512xf32, #tpu.memory_space<vmem>>, vector<16xf32>,
      %add3A_653 = arith.constant 63 : i32
      %add3A_654 = vector.broadcast %add3A_653 : i32 to vector<16xi32>
      %add3A_655 = arith.addi %mul3A_60, %add3A_654 : vector<16xi32>
      %gather3A_656 = tpu.vector_load_idx %arg5[%add3A_655] : memref<6500xf32, #tpu.memory_space<vmem>>[vector<16xi32>], vector<16xf32>,
      %mul3A_657 = arith.constant 16 : i32
      %mul3A_658 = arith.muli %scan3A_54, %mul3A_657 : i32
      %swap3A_659 = arith.constant 57 : i32
      %swap3A_660 = arith.index_cast %swap3A_659 : i32 to index
      %swap3A_661 = arith.index_cast %mul3A_658 : i32 to index
      %swap3A_662 = tpu.vector_load %arg7[%swap3A_660, %swap3A_661] {strides = array<i32>} : memref<64x512xf32, #tpu.memory_space<vmem>>, vector<16xf32>,
      tpu.vector_store %arg7[%swap3A_660, %swap3A_661], %gather3A_596 {strides = array<i32>} : memref<64x512xf32, #tpu.memory_space<vmem>>, vector<16xf32>,
      %mul3A_663 = arith.constant 16 : i32
      %mul3A_664 = arith.muli %scan3A_54, %mul3A_663 : i32
      %swap3A_665 = arith.constant 58 : i32
      %swap3A_666 = arith.index_cast %swap3A_665 : i32 to index
      %swap3A_667 = arith.index_cast %mul3A_664 : i32 to index
      %swap3A_668 = tpu.vector_load %arg7[%swap3A_666, %swap3A_667] {strides = array<i32>} : memref<64x512xf32, #tpu.memory_space<vmem>>, vector<16xf32>,
      tpu.vector_store %arg7[%swap3A_666, %swap3A_667], %gather3A_606 {strides = array<i32>} : memref<64x512xf32, #tpu.memory_space<vmem>>, vector<16xf32>,
      %mul3A_669 = arith.constant 16 : i32
      %mul3A_670 = arith.muli %scan3A_54, %mul3A_669 : i32
      %swap3A_671 = arith.constant 59 : i32
      %swap3A_672 = arith.index_cast %swap3A_671 : i32 to index
      %swap3A_673 = arith.index_cast %mul3A_670 : i32 to index
      %swap3A_674 = tpu.vector_load %arg7[%swap3A_672, %swap3A_673] {strides = array<i32>} : memref<64x512xf32, #tpu.memory_space<vmem>>, vector<16xf32>,
      tpu.vector_store %arg7[%swap3A_672, %swap3A_673], %gather3A_616 {strides = array<i32>} : memref<64x512xf32, #tpu.memory_space<vmem>>, vector<16xf32>,
      %mul3A_675 = arith.constant 16 : i32
      %mul3A_676 = arith.muli %scan3A_54, %mul3A_675 : i32
      %swap3A_677 = arith.constant 60 : i32
      %swap3A_678 = arith.index_cast %swap3A_677 : i32 to index
      %swap3A_679 = arith.index_cast %mul3A_676 : i32 to index
      %swap3A_680 = tpu.vector_load %arg7[%swap3A_678, %swap3A_679] {strides = array<i32>} : memref<64x512xf32, #tpu.memory_space<vmem>>, vector<16xf32>,
      tpu.vector_store %arg7[%swap3A_678, %swap3A_679], %gather3A_626 {strides = array<i32>} : memref<64x512xf32, #tpu.memory_space<vmem>>, vector<16xf32>,
      %mul3A_681 = arith.constant 16 : i32
      %mul3A_682 = arith.muli %scan3A_54, %mul3A_681 : i32
      %swap3A_683 = arith.constant 61 : i32
      %swap3A_684 = arith.index_cast %swap3A_683 : i32 to index
      %swap3A_685 = arith.index_cast %mul3A_682 : i32 to index
      %swap3A_686 = tpu.vector_load %arg7[%swap3A_684, %swap3A_685] {strides = array<i32>} : memref<64x512xf32, #tpu.memory_space<vmem>>, vector<16xf32>,
      tpu.vector_store %arg7[%swap3A_684, %swap3A_685], %gather3A_636 {strides = array<i32>} : memref<64x512xf32, #tpu.memory_space<vmem>>, vector<16xf32>,
      %mul3A_687 = arith.constant 16 : i32
      %mul3A_688 = arith.muli %scan3A_54, %mul3A_687 : i32
      %swap3A_689 = arith.constant 62 : i32
      %swap3A_690 = arith.index_cast %swap3A_689 : i32 to index
      %swap3A_691 = arith.index_cast %mul3A_688 : i32 to index
      %swap3A_692 = tpu.vector_load %arg7[%swap3A_690, %swap3A_691] {strides = array<i32>} : memref<64x512xf32, #tpu.memory_space<vmem>>, vector<16xf32>,
      tpu.vector_store %arg7[%swap3A_690, %swap3A_691], %gather3A_646 {strides = array<i32>} : memref<64x512xf32, #tpu.memory_space<vmem>>, vector<16xf32>,
      %mul3A_693 = arith.constant 16 : i32
      %mul3A_694 = arith.muli %scan3A_54, %mul3A_693 : i32
      %swap3A_695 = arith.constant 63 : i32
      %swap3A_696 = arith.index_cast %swap3A_695 : i32 to index
      %swap3A_697 = arith.index_cast %mul3A_694 : i32 to index
      %swap3A_698 = tpu.vector_load %arg7[%swap3A_696, %swap3A_697] {strides = array<i32>} : memref<64x512xf32, #tpu.memory_space<vmem>>, vector<16xf32>,
      tpu.vector_store %arg7[%swap3A_696, %swap3A_697], %gather3A_656 {strides = array<i32>} : memref<64x512xf32, #tpu.memory_space<vmem>>, vector<16xf32>,
    }
    %scan3A_7 = arith.constant 16 : i32
    %dma_start3A = arith.constant 0 : i32
    %dma_start3A_8 = arith.constant 0 : i32
    %dma_start3A_9 = tpu.memref_slice %arg7[%dma_start3A, %dma_start3A_8] : memref<64x512xf32, #tpu.memory_space<vmem>> -> memref<64x256xf32, #tpu.memory_space<vmem>>
    %dma_start3A_10 = arith.constant 0 : i32
    %dma_start3A_11 = tpu.memref_slice %arg4[%dma_start3A_10, %mul3A_2] : memref<64x16384xf32, #tpu.memory_space<hbm>> -> memref<64x256xf32, #tpu.memory_space<hbm>>
    %dma_start3A_12 = arith.constant 0 : i32
    %dma_start3A_13 = tpu.memref_slice %arg4[%dma_start3A_12, %mul3A_2] : memref<64x16384xf32, #tpu.memory_space<hbm>> -> memref<64x256xf32, #tpu.memory_space<hbm>>
    %dma_start3A_14 = arith.constant 0 : i32
    %dma_start3A_15 = arith.constant 0 : i32
    %dma_start3A_16 = tpu.memref_slice %arg7[%dma_start3A_14, %dma_start3A_15] : memref<64x512xf32, #tpu.memory_space<vmem>> -> memref<64x256xf32, #tpu.memory_space<vmem>>
    tpu.enqueue_dma source(%dma_start3A_16 : memref<64x256xf32, #tpu.memory_space<vmem>>) target(%dma_start3A_13 : memref<64x256xf32, #tpu.memory_space<hbm>>) target_semaphore(%arg8 : memref<!tpu.dma_semaphore, #tpu.memory_space<semaphore_mem>>)
    %scan3A_17 = arith.constant 0 : i32
    %scan3A_18 = arith.constant 16 : i32
    %scan3A_19 = arith.constant 16 : i32
    %scan3A_20 = arith.addi %scan3A_18, %scan3A_19 : i32
    %scan3A_21 = arith.constant 1 : i32
    scf.for %scan3A_54 = %scan3A_18 to %scan3A_20 step %scan3A_21  : i32 {
      %mul3A_55 = arith.constant 16 : i32
      %mul3A_56 = arith.muli %scan3A_54, %mul3A_55 : i32
      %get3A = arith.index_cast %mul3A_56 : i32 to index
      %get3A_57 = tpu.vector_load %arg6[%get3A] {strides = array<i32>} : memref<512xi32, #tpu.memory_space<vmem>>, vector<16xi32>,
      %mul3A_58 = arith.constant 65 : i32
      %mul3A_59 = vector.broadcast %mul3A_58 : i32 to vector<16xi32>
      %mul3A_60 = arith.muli %get3A_57, %mul3A_59 : vector<16xi32>
      %add3A_61 = arith.constant 0 : i32
      %add3A_62 = vector.broadcast %add3A_61 : i32 to vector<16xi32>
      %add3A_63 = arith.addi %mul3A_60, %add3A_62 : vector<16xi32>
      %gather3A = tpu.vector_load_idx %arg5[%add3A_63] : memref<6500xf32, #tpu.memory_space<vmem>>[vector<16xi32>], vector<16xf32>,
      %add3A_64 = arith.constant 1 : i32
      %add3A_65 = vector.broadcast %add3A_64 : i32 to vector<16xi32>
      %add3A_66 = arith.addi %mul3A_60, %add3A_65 : vector<16xi32>
      %gather3A_67 = tpu.vector_load_idx %arg5[%add3A_66] : memref<6500xf32, #tpu.memory_space<vmem>>[vector<16xi32>], vector<16xf32>,
      %add3A_68 = arith.constant 2 : i32
      %add3A_69 = vector.broadcast %add3A_68 : i32 to vector<16xi32>
      %add3A_70 = arith.addi %mul3A_60, %add3A_69 : vector<16xi32>
      %gather3A_71 = tpu.vector_load_idx %arg5[%add3A_70] : memref<6500xf32, #tpu.memory_space<vmem>>[vector<16xi32>], vector<16xf32>,
      %add3A_72 = arith.constant 3 : i32
      %add3A_73 = vector.broadcast %add3A_72 : i32 to vector<16xi32>
      %add3A_74 = arith.addi %mul3A_60, %add3A_73 : vector<16xi32>
      %gather3A_75 = tpu.vector_load_idx %arg5[%add3A_74] : memref<6500xf32, #tpu.memory_space<vmem>>[vector<16xi32>], vector<16xf32>,
      %add3A_76 = arith.constant 4 : i32
      %add3A_77 = vector.broadcast %add3A_76 : i32 to vector<16xi32>
      %add3A_78 = arith.addi %mul3A_60, %add3A_77 : vector<16xi32>
      %gather3A_79 = tpu.vector_load_idx %arg5[%add3A_78] : memref<6500xf32, #tpu.memory_space<vmem>>[vector<16xi32>], vector<16xf32>,
      %add3A_80 = arith.constant 5 : i32
      %add3A_81 = vector.broadcast %add3A_80 : i32 to vector<16xi32>
      %add3A_82 = arith.addi %mul3A_60, %add3A_81 : vector<16xi32>
      %gather3A_83 = tpu.vector_load_idx %arg5[%add3A_82] : memref<6500xf32, #tpu.memory_space<vmem>>[vector<16xi32>], vector<16xf32>,
      %add3A_84 = arith.constant 6 : i32
      %add3A_85 = vector.broadcast %add3A_84 : i32 to vector<16xi32>
      %add3A_86 = arith.addi %mul3A_60, %add3A_85 : vector<16xi32>
      %gather3A_87 = tpu.vector_load_idx %arg5[%add3A_86] : memref<6500xf32, #tpu.memory_space<vmem>>[vector<16xi32>], vector<16xf32>,
      %mul3A_88 = arith.constant 16 : i32
      %mul3A_89 = arith.muli %scan3A_54, %mul3A_88 : i32
      %swap3A = arith.constant 0 : i32
      %swap3A_90 = arith.index_cast %swap3A : i32 to index
      %swap3A_91 = arith.index_cast %mul3A_89 : i32 to index
      %swap3A_92 = tpu.vector_load %arg7[%swap3A_90, %swap3A_91] {strides = array<i32>} : memref<64x512xf32, #tpu.memory_space<vmem>>, vector<16xf32>,
      tpu.vector_store %arg7[%swap3A_90, %swap3A_91], %gather3A {strides = array<i32>} : memref<64x512xf32, #tpu.memory_space<vmem>>, vector<16xf32>,
      %add3A_93 = arith.constant 7 : i32
      %add3A_94 = vector.broadcast %add3A_93 : i32 to vector<16xi32>
      %add3A_95 = arith.addi %mul3A_60, %add3A_94 : vector<16xi32>
      %gather3A_96 = tpu.vector_load_idx %arg5[%add3A_95] : memref<6500xf32, #tpu.memory_space<vmem>>[vector<16xi32>], vector<16xf32>,
      %mul3A_97 = arith.constant 16 : i32
      %mul3A_98 = arith.muli %scan3A_54, %mul3A_97 : i32
      %swap3A_99 = arith.constant 1 : i32
      %swap3A_100 = arith.index_cast %swap3A_99 : i32 to index
      %swap3A_101 = arith.index_cast %mul3A_98 : i32 to index
      %swap3A_102 = tpu.vector_load %arg7[%swap3A_100, %swap3A_101] {strides = array<i32>} : memref<64x512xf32, #tpu.memory_space<vmem>>, vector<16xf32>,
      tpu.vector_store %arg7[%swap3A_100, %swap3A_101], %gather3A_67 {strides = array<i32>} : memref<64x512xf32, #tpu.memory_space<vmem>>, vector<16xf32>,
      %add3A_103 = arith.constant 8 : i32
      %add3A_104 = vector.broadcast %add3A_103 : i32 to vector<16xi32>
      %add3A_105 = arith.addi %mul3A_60, %add3A_104 : vector<16xi32>
      %gather3A_106 = tpu.vector_load_idx %arg5[%add3A_105] : memref<6500xf32, #tpu.memory_space<vmem>>[vector<16xi32>], vector<16xf32>,
      %mul3A_107 = arith.constant 16 : i32
      %mul3A_108 = arith.muli %scan3A_54, %mul3A_107 : i32
      %swap3A_109 = arith.constant 2 : i32
      %swap3A_110 = arith.index_cast %swap3A_109 : i32 to index
      %swap3A_111 = arith.index_cast %mul3A_108 : i32 to index
      %swap3A_112 = tpu.vector_load %arg7[%swap3A_110, %swap3A_111] {strides = array<i32>} : memref<64x512xf32, #tpu.memory_space<vmem>>, vector<16xf32>,
      tpu.vector_store %arg7[%swap3A_110, %swap3A_111], %gather3A_71 {strides = array<i32>} : memref<64x512xf32, #tpu.memory_space<vmem>>, vector<16xf32>,
      %add3A_113 = arith.constant 9 : i32
      %add3A_114 = vector.broadcast %add3A_113 : i32 to vector<16xi32>
      %add3A_115 = arith.addi %mul3A_60, %add3A_114 : vector<16xi32>
      %gather3A_116 = tpu.vector_load_idx %arg5[%add3A_115] : memref<6500xf32, #tpu.memory_space<vmem>>[vector<16xi32>], vector<16xf32>,
      %mul3A_117 = arith.constant 16 : i32
      %mul3A_118 = arith.muli %scan3A_54, %mul3A_117 : i32
      %swap3A_119 = arith.constant 3 : i32
      %swap3A_120 = arith.index_cast %swap3A_119 : i32 to index
      %swap3A_121 = arith.index_cast %mul3A_118 : i32 to index
      %swap3A_122 = tpu.vector_load %arg7[%swap3A_120, %swap3A_121] {strides = array<i32>} : memref<64x512xf32, #tpu.memory_space<vmem>>, vector<16xf32>,
      tpu.vector_store %arg7[%swap3A_120, %swap3A_121], %gather3A_75 {strides = array<i32>} : memref<64x512xf32, #tpu.memory_space<vmem>>, vector<16xf32>,
      %add3A_123 = arith.constant 10 : i32
      %add3A_124 = vector.broadcast %add3A_123 : i32 to vector<16xi32>
      %add3A_125 = arith.addi %mul3A_60, %add3A_124 : vector<16xi32>
      %gather3A_126 = tpu.vector_load_idx %arg5[%add3A_125] : memref<6500xf32, #tpu.memory_space<vmem>>[vector<16xi32>], vector<16xf32>,
      %mul3A_127 = arith.constant 16 : i32
      %mul3A_128 = arith.muli %scan3A_54, %mul3A_127 : i32
      %swap3A_129 = arith.constant 4 : i32
      %swap3A_130 = arith.index_cast %swap3A_129 : i32 to index
      %swap3A_131 = arith.index_cast %mul3A_128 : i32 to index
      %swap3A_132 = tpu.vector_load %arg7[%swap3A_130, %swap3A_131] {strides = array<i32>} : memref<64x512xf32, #tpu.memory_space<vmem>>, vector<16xf32>,
      tpu.vector_store %arg7[%swap3A_130, %swap3A_131], %gather3A_79 {strides = array<i32>} : memref<64x512xf32, #tpu.memory_space<vmem>>, vector<16xf32>,
      %add3A_133 = arith.constant 11 : i32
      %add3A_134 = vector.broadcast %add3A_133 : i32 to vector<16xi32>
      %add3A_135 = arith.addi %mul3A_60, %add3A_134 : vector<16xi32>
      %gather3A_136 = tpu.vector_load_idx %arg5[%add3A_135] : memref<6500xf32, #tpu.memory_space<vmem>>[vector<16xi32>], vector<16xf32>,
      %mul3A_137 = arith.constant 16 : i32
      %mul3A_138 = arith.muli %scan3A_54, %mul3A_137 : i32
      %swap3A_139 = arith.constant 5 : i32
      %swap3A_140 = arith.index_cast %swap3A_139 : i32 to index
      %swap3A_141 = arith.index_cast %mul3A_138 : i32 to index
      %swap3A_142 = tpu.vector_load %arg7[%swap3A_140, %swap3A_141] {strides = array<i32>} : memref<64x512xf32, #tpu.memory_space<vmem>>, vector<16xf32>,
      tpu.vector_store %arg7[%swap3A_140, %swap3A_141], %gather3A_83 {strides = array<i32>} : memref<64x512xf32, #tpu.memory_space<vmem>>, vector<16xf32>,
      %add3A_143 = arith.constant 12 : i32
      %add3A_144 = vector.broadcast %add3A_143 : i32 to vector<16xi32>
      %add3A_145 = arith.addi %mul3A_60, %add3A_144 : vector<16xi32>
      %gather3A_146 = tpu.vector_load_idx %arg5[%add3A_145] : memref<6500xf32, #tpu.memory_space<vmem>>[vector<16xi32>], vector<16xf32>,
      %mul3A_147 = arith.constant 16 : i32
      %mul3A_148 = arith.muli %scan3A_54, %mul3A_147 : i32
      %swap3A_149 = arith.constant 6 : i32
      %swap3A_150 = arith.index_cast %swap3A_149 : i32 to index
      %swap3A_151 = arith.index_cast %mul3A_148 : i32 to index
      %swap3A_152 = tpu.vector_load %arg7[%swap3A_150, %swap3A_151] {strides = array<i32>} : memref<64x512xf32, #tpu.memory_space<vmem>>, vector<16xf32>,
      tpu.vector_store %arg7[%swap3A_150, %swap3A_151], %gather3A_87 {strides = array<i32>} : memref<64x512xf32, #tpu.memory_space<vmem>>, vector<16xf32>,
      %add3A_153 = arith.constant 13 : i32
      %add3A_154 = vector.broadcast %add3A_153 : i32 to vector<16xi32>
      %add3A_155 = arith.addi %mul3A_60, %add3A_154 : vector<16xi32>
      %gather3A_156 = tpu.vector_load_idx %arg5[%add3A_155] : memref<6500xf32, #tpu.memory_space<vmem>>[vector<16xi32>], vector<16xf32>,
      %mul3A_157 = arith.constant 16 : i32
      %mul3A_158 = arith.muli %scan3A_54, %mul3A_157 : i32
      %swap3A_159 = arith.constant 7 : i32
      %swap3A_160 = arith.index_cast %swap3A_159 : i32 to index
      %swap3A_161 = arith.index_cast %mul3A_158 : i32 to index
      %swap3A_162 = tpu.vector_load %arg7[%swap3A_160, %swap3A_161] {strides = array<i32>} : memref<64x512xf32, #tpu.memory_space<vmem>>, vector<16xf32>,
      tpu.vector_store %arg7[%swap3A_160, %swap3A_161], %gather3A_96 {strides = array<i32>} : memref<64x512xf32, #tpu.memory_space<vmem>>, vector<16xf32>,
      %add3A_163 = arith.constant 14 : i32
      %add3A_164 = vector.broadcast %add3A_163 : i32 to vector<16xi32>
      %add3A_165 = arith.addi %mul3A_60, %add3A_164 : vector<16xi32>
      %gather3A_166 = tpu.vector_load_idx %arg5[%add3A_165] : memref<6500xf32, #tpu.memory_space<vmem>>[vector<16xi32>], vector<16xf32>,
      %mul3A_167 = arith.constant 16 : i32
      %mul3A_168 = arith.muli %scan3A_54, %mul3A_167 : i32
      %swap3A_169 = arith.constant 8 : i32
      %swap3A_170 = arith.index_cast %swap3A_169 : i32 to index
      %swap3A_171 = arith.index_cast %mul3A_168 : i32 to index
      %swap3A_172 = tpu.vector_load %arg7[%swap3A_170, %swap3A_171] {strides = array<i32>} : memref<64x512xf32, #tpu.memory_space<vmem>>, vector<16xf32>,
      tpu.vector_store %arg7[%swap3A_170, %swap3A_171], %gather3A_106 {strides = array<i32>} : memref<64x512xf32, #tpu.memory_space<vmem>>, vector<16xf32>,
      %add3A_173 = arith.constant 15 : i32
      %add3A_174 = vector.broadcast %add3A_173 : i32 to vector<16xi32>
      %add3A_175 = arith.addi %mul3A_60, %add3A_174 : vector<16xi32>
      %gather3A_176 = tpu.vector_load_idx %arg5[%add3A_175] : memref<6500xf32, #tpu.memory_space<vmem>>[vector<16xi32>], vector<16xf32>,
      %mul3A_177 = arith.constant 16 : i32
      %mul3A_178 = arith.muli %scan3A_54, %mul3A_177 : i32
      %swap3A_179 = arith.constant 9 : i32
      %swap3A_180 = arith.index_cast %swap3A_179 : i32 to index
      %swap3A_181 = arith.index_cast %mul3A_178 : i32 to index
      %swap3A_182 = tpu.vector_load %arg7[%swap3A_180, %swap3A_181] {strides = array<i32>} : memref<64x512xf32, #tpu.memory_space<vmem>>, vector<16xf32>,
      tpu.vector_store %arg7[%swap3A_180, %swap3A_181], %gather3A_116 {strides = array<i32>} : memref<64x512xf32, #tpu.memory_space<vmem>>, vector<16xf32>,
      %add3A_183 = arith.constant 16 : i32
      %add3A_184 = vector.broadcast %add3A_183 : i32 to vector<16xi32>
      %add3A_185 = arith.addi %mul3A_60, %add3A_184 : vector<16xi32>
      %gather3A_186 = tpu.vector_load_idx %arg5[%add3A_185] : memref<6500xf32, #tpu.memory_space<vmem>>[vector<16xi32>], vector<16xf32>,
      %mul3A_187 = arith.constant 16 : i32
      %mul3A_188 = arith.muli %scan3A_54, %mul3A_187 : i32
      %swap3A_189 = arith.constant 10 : i32
      %swap3A_190 = arith.index_cast %swap3A_189 : i32 to index
      %swap3A_191 = arith.index_cast %mul3A_188 : i32 to index
      %swap3A_192 = tpu.vector_load %arg7[%swap3A_190, %swap3A_191] {strides = array<i32>} : memref<64x512xf32, #tpu.memory_space<vmem>>, vector<16xf32>,
      tpu.vector_store %arg7[%swap3A_190, %swap3A_191], %gather3A_126 {strides = array<i32>} : memref<64x512xf32, #tpu.memory_space<vmem>>, vector<16xf32>,
      %add3A_193 = arith.constant 17 : i32
      %add3A_194 = vector.broadcast %add3A_193 : i32 to vector<16xi32>
      %add3A_195 = arith.addi %mul3A_60, %add3A_194 : vector<16xi32>
      %gather3A_196 = tpu.vector_load_idx %arg5[%add3A_195] : memref<6500xf32, #tpu.memory_space<vmem>>[vector<16xi32>], vector<16xf32>,
      %mul3A_197 = arith.constant 16 : i32
      %mul3A_198 = arith.muli %scan3A_54, %mul3A_197 : i32
      %swap3A_199 = arith.constant 11 : i32
      %swap3A_200 = arith.index_cast %swap3A_199 : i32 to index
      %swap3A_201 = arith.index_cast %mul3A_198 : i32 to index
      %swap3A_202 = tpu.vector_load %arg7[%swap3A_200, %swap3A_201] {strides = array<i32>} : memref<64x512xf32, #tpu.memory_space<vmem>>, vector<16xf32>,
      tpu.vector_store %arg7[%swap3A_200, %swap3A_201], %gather3A_136 {strides = array<i32>} : memref<64x512xf32, #tpu.memory_space<vmem>>, vector<16xf32>,
      %add3A_203 = arith.constant 18 : i32
      %add3A_204 = vector.broadcast %add3A_203 : i32 to vector<16xi32>
      %add3A_205 = arith.addi %mul3A_60, %add3A_204 : vector<16xi32>
      %gather3A_206 = tpu.vector_load_idx %arg5[%add3A_205] : memref<6500xf32, #tpu.memory_space<vmem>>[vector<16xi32>], vector<16xf32>,
      %mul3A_207 = arith.constant 16 : i32
      %mul3A_208 = arith.muli %scan3A_54, %mul3A_207 : i32
      %swap3A_209 = arith.constant 12 : i32
      %swap3A_210 = arith.index_cast %swap3A_209 : i32 to index
      %swap3A_211 = arith.index_cast %mul3A_208 : i32 to index
      %swap3A_212 = tpu.vector_load %arg7[%swap3A_210, %swap3A_211] {strides = array<i32>} : memref<64x512xf32, #tpu.memory_space<vmem>>, vector<16xf32>,
      tpu.vector_store %arg7[%swap3A_210, %swap3A_211], %gather3A_146 {strides = array<i32>} : memref<64x512xf32, #tpu.memory_space<vmem>>, vector<16xf32>,
      %add3A_213 = arith.constant 19 : i32
      %add3A_214 = vector.broadcast %add3A_213 : i32 to vector<16xi32>
      %add3A_215 = arith.addi %mul3A_60, %add3A_214 : vector<16xi32>
      %gather3A_216 = tpu.vector_load_idx %arg5[%add3A_215] : memref<6500xf32, #tpu.memory_space<vmem>>[vector<16xi32>], vector<16xf32>,
      %mul3A_217 = arith.constant 16 : i32
      %mul3A_218 = arith.muli %scan3A_54, %mul3A_217 : i32
      %swap3A_219 = arith.constant 13 : i32
      %swap3A_220 = arith.index_cast %swap3A_219 : i32 to index
      %swap3A_221 = arith.index_cast %mul3A_218 : i32 to index
      %swap3A_222 = tpu.vector_load %arg7[%swap3A_220, %swap3A_221] {strides = array<i32>} : memref<64x512xf32, #tpu.memory_space<vmem>>, vector<16xf32>,
      tpu.vector_store %arg7[%swap3A_220, %swap3A_221], %gather3A_156 {strides = array<i32>} : memref<64x512xf32, #tpu.memory_space<vmem>>, vector<16xf32>,
      %add3A_223 = arith.constant 20 : i32
      %add3A_224 = vector.broadcast %add3A_223 : i32 to vector<16xi32>
      %add3A_225 = arith.addi %mul3A_60, %add3A_224 : vector<16xi32>
      %gather3A_226 = tpu.vector_load_idx %arg5[%add3A_225] : memref<6500xf32, #tpu.memory_space<vmem>>[vector<16xi32>], vector<16xf32>,
      %mul3A_227 = arith.constant 16 : i32
      %mul3A_228 = arith.muli %scan3A_54, %mul3A_227 : i32
      %swap3A_229 = arith.constant 14 : i32
      %swap3A_230 = arith.index_cast %swap3A_229 : i32 to index
      %swap3A_231 = arith.index_cast %mul3A_228 : i32 to index
      %swap3A_232 = tpu.vector_load %arg7[%swap3A_230, %swap3A_231] {strides = array<i32>} : memref<64x512xf32, #tpu.memory_space<vmem>>, vector<16xf32>,
      tpu.vector_store %arg7[%swap3A_230, %swap3A_231], %gather3A_166 {strides = array<i32>} : memref<64x512xf32, #tpu.memory_space<vmem>>, vector<16xf32>,
      %add3A_233 = arith.constant 21 : i32
      %add3A_234 = vector.broadcast %add3A_233 : i32 to vector<16xi32>
      %add3A_235 = arith.addi %mul3A_60, %add3A_234 : vector<16xi32>
      %gather3A_236 = tpu.vector_load_idx %arg5[%add3A_235] : memref<6500xf32, #tpu.memory_space<vmem>>[vector<16xi32>], vector<16xf32>,
      %mul3A_237 = arith.constant 16 : i32
      %mul3A_238 = arith.muli %scan3A_54, %mul3A_237 : i32
      %swap3A_239 = arith.constant 15 : i32
      %swap3A_240 = arith.index_cast %swap3A_239 : i32 to index
      %swap3A_241 = arith.index_cast %mul3A_238 : i32 to index
      %swap3A_242 = tpu.vector_load %arg7[%swap3A_240, %swap3A_241] {strides = array<i32>} : memref<64x512xf32, #tpu.memory_space<vmem>>, vector<16xf32>,
      tpu.vector_store %arg7[%swap3A_240, %swap3A_241], %gather3A_176 {strides = array<i32>} : memref<64x512xf32, #tpu.memory_space<vmem>>, vector<16xf32>,
      %add3A_243 = arith.constant 22 : i32
      %add3A_244 = vector.broadcast %add3A_243 : i32 to vector<16xi32>
      %add3A_245 = arith.addi %mul3A_60, %add3A_244 : vector<16xi32>
      %gather3A_246 = tpu.vector_load_idx %arg5[%add3A_245] : memref<6500xf32, #tpu.memory_space<vmem>>[vector<16xi32>], vector<16xf32>,
      %mul3A_247 = arith.constant 16 : i32
      %mul3A_248 = arith.muli %scan3A_54, %mul3A_247 : i32
      %swap3A_249 = arith.constant 16 : i32
      %swap3A_250 = arith.index_cast %swap3A_249 : i32 to index
      %swap3A_251 = arith.index_cast %mul3A_248 : i32 to index
      %swap3A_252 = tpu.vector_load %arg7[%swap3A_250, %swap3A_251] {strides = array<i32>} : memref<64x512xf32, #tpu.memory_space<vmem>>, vector<16xf32>,
      tpu.vector_store %arg7[%swap3A_250, %swap3A_251], %gather3A_186 {strides = array<i32>} : memref<64x512xf32, #tpu.memory_space<vmem>>, vector<16xf32>,
      %add3A_253 = arith.constant 23 : i32
      %add3A_254 = vector.broadcast %add3A_253 : i32 to vector<16xi32>
      %add3A_255 = arith.addi %mul3A_60, %add3A_254 : vector<16xi32>
      %gather3A_256 = tpu.vector_load_idx %arg5[%add3A_255] : memref<6500xf32, #tpu.memory_space<vmem>>[vector<16xi32>], vector<16xf32>,
      %mul3A_257 = arith.constant 16 : i32
      %mul3A_258 = arith.muli %scan3A_54, %mul3A_257 : i32
      %swap3A_259 = arith.constant 17 : i32
      %swap3A_260 = arith.index_cast %swap3A_259 : i32 to index
      %swap3A_261 = arith.index_cast %mul3A_258 : i32 to index
      %swap3A_262 = tpu.vector_load %arg7[%swap3A_260, %swap3A_261] {strides = array<i32>} : memref<64x512xf32, #tpu.memory_space<vmem>>, vector<16xf32>,
      tpu.vector_store %arg7[%swap3A_260, %swap3A_261], %gather3A_196 {strides = array<i32>} : memref<64x512xf32, #tpu.memory_space<vmem>>, vector<16xf32>,
      %add3A_263 = arith.constant 24 : i32
      %add3A_264 = vector.broadcast %add3A_263 : i32 to vector<16xi32>
      %add3A_265 = arith.addi %mul3A_60, %add3A_264 : vector<16xi32>
      %gather3A_266 = tpu.vector_load_idx %arg5[%add3A_265] : memref<6500xf32, #tpu.memory_space<vmem>>[vector<16xi32>], vector<16xf32>,
      %mul3A_267 = arith.constant 16 : i32
      %mul3A_268 = arith.muli %scan3A_54, %mul3A_267 : i32
      %swap3A_269 = arith.constant 18 : i32
      %swap3A_270 = arith.index_cast %swap3A_269 : i32 to index
      %swap3A_271 = arith.index_cast %mul3A_268 : i32 to index
      %swap3A_272 = tpu.vector_load %arg7[%swap3A_270, %swap3A_271] {strides = array<i32>} : memref<64x512xf32, #tpu.memory_space<vmem>>, vector<16xf32>,
      tpu.vector_store %arg7[%swap3A_270, %swap3A_271], %gather3A_206 {strides = array<i32>} : memref<64x512xf32, #tpu.memory_space<vmem>>, vector<16xf32>,
      %add3A_273 = arith.constant 25 : i32
      %add3A_274 = vector.broadcast %add3A_273 : i32 to vector<16xi32>
      %add3A_275 = arith.addi %mul3A_60, %add3A_274 : vector<16xi32>
      %gather3A_276 = tpu.vector_load_idx %arg5[%add3A_275] : memref<6500xf32, #tpu.memory_space<vmem>>[vector<16xi32>], vector<16xf32>,
      %mul3A_277 = arith.constant 16 : i32
      %mul3A_278 = arith.muli %scan3A_54, %mul3A_277 : i32
      %swap3A_279 = arith.constant 19 : i32
      %swap3A_280 = arith.index_cast %swap3A_279 : i32 to index
      %swap3A_281 = arith.index_cast %mul3A_278 : i32 to index
      %swap3A_282 = tpu.vector_load %arg7[%swap3A_280, %swap3A_281] {strides = array<i32>} : memref<64x512xf32, #tpu.memory_space<vmem>>, vector<16xf32>,
      tpu.vector_store %arg7[%swap3A_280, %swap3A_281], %gather3A_216 {strides = array<i32>} : memref<64x512xf32, #tpu.memory_space<vmem>>, vector<16xf32>,
      %add3A_283 = arith.constant 26 : i32
      %add3A_284 = vector.broadcast %add3A_283 : i32 to vector<16xi32>
      %add3A_285 = arith.addi %mul3A_60, %add3A_284 : vector<16xi32>
      %gather3A_286 = tpu.vector_load_idx %arg5[%add3A_285] : memref<6500xf32, #tpu.memory_space<vmem>>[vector<16xi32>], vector<16xf32>,
      %mul3A_287 = arith.constant 16 : i32
      %mul3A_288 = arith.muli %scan3A_54, %mul3A_287 : i32
      %swap3A_289 = arith.constant 20 : i32
      %swap3A_290 = arith.index_cast %swap3A_289 : i32 to index
      %swap3A_291 = arith.index_cast %mul3A_288 : i32 to index
      %swap3A_292 = tpu.vector_load %arg7[%swap3A_290, %swap3A_291] {strides = array<i32>} : memref<64x512xf32, #tpu.memory_space<vmem>>, vector<16xf32>,
      tpu.vector_store %arg7[%swap3A_290, %swap3A_291], %gather3A_226 {strides = array<i32>} : memref<64x512xf32, #tpu.memory_space<vmem>>, vector<16xf32>,
      %add3A_293 = arith.constant 27 : i32
      %add3A_294 = vector.broadcast %add3A_293 : i32 to vector<16xi32>
      %add3A_295 = arith.addi %mul3A_60, %add3A_294 : vector<16xi32>
      %gather3A_296 = tpu.vector_load_idx %arg5[%add3A_295] : memref<6500xf32, #tpu.memory_space<vmem>>[vector<16xi32>], vector<16xf32>,
      %mul3A_297 = arith.constant 16 : i32
      %mul3A_298 = arith.muli %scan3A_54, %mul3A_297 : i32
      %swap3A_299 = arith.constant 21 : i32
      %swap3A_300 = arith.index_cast %swap3A_299 : i32 to index
      %swap3A_301 = arith.index_cast %mul3A_298 : i32 to index
      %swap3A_302 = tpu.vector_load %arg7[%swap3A_300, %swap3A_301] {strides = array<i32>} : memref<64x512xf32, #tpu.memory_space<vmem>>, vector<16xf32>,
      tpu.vector_store %arg7[%swap3A_300, %swap3A_301], %gather3A_236 {strides = array<i32>} : memref<64x512xf32, #tpu.memory_space<vmem>>, vector<16xf32>,
      %add3A_303 = arith.constant 28 : i32
      %add3A_304 = vector.broadcast %add3A_303 : i32 to vector<16xi32>
      %add3A_305 = arith.addi %mul3A_60, %add3A_304 : vector<16xi32>
      %gather3A_306 = tpu.vector_load_idx %arg5[%add3A_305] : memref<6500xf32, #tpu.memory_space<vmem>>[vector<16xi32>], vector<16xf32>,
      %mul3A_307 = arith.constant 16 : i32
      %mul3A_308 = arith.muli %scan3A_54, %mul3A_307 : i32
      %swap3A_309 = arith.constant 22 : i32
      %swap3A_310 = arith.index_cast %swap3A_309 : i32 to index
      %swap3A_311 = arith.index_cast %mul3A_308 : i32 to index
      %swap3A_312 = tpu.vector_load %arg7[%swap3A_310, %swap3A_311] {strides = array<i32>} : memref<64x512xf32, #tpu.memory_space<vmem>>, vector<16xf32>,
      tpu.vector_store %arg7[%swap3A_310, %swap3A_311], %gather3A_246 {strides = array<i32>} : memref<64x512xf32, #tpu.memory_space<vmem>>, vector<16xf32>,
      %add3A_313 = arith.constant 29 : i32
      %add3A_314 = vector.broadcast %add3A_313 : i32 to vector<16xi32>
      %add3A_315 = arith.addi %mul3A_60, %add3A_314 : vector<16xi32>
      %gather3A_316 = tpu.vector_load_idx %arg5[%add3A_315] : memref<6500xf32, #tpu.memory_space<vmem>>[vector<16xi32>], vector<16xf32>,
      %mul3A_317 = arith.constant 16 : i32
      %mul3A_318 = arith.muli %scan3A_54, %mul3A_317 : i32
      %swap3A_319 = arith.constant 23 : i32
      %swap3A_320 = arith.index_cast %swap3A_319 : i32 to index
      %swap3A_321 = arith.index_cast %mul3A_318 : i32 to index
      %swap3A_322 = tpu.vector_load %arg7[%swap3A_320, %swap3A_321] {strides = array<i32>} : memref<64x512xf32, #tpu.memory_space<vmem>>, vector<16xf32>,
      tpu.vector_store %arg7[%swap3A_320, %swap3A_321], %gather3A_256 {strides = array<i32>} : memref<64x512xf32, #tpu.memory_space<vmem>>, vector<16xf32>,
      %add3A_323 = arith.constant 30 : i32
      %add3A_324 = vector.broadcast %add3A_323 : i32 to vector<16xi32>
      %add3A_325 = arith.addi %mul3A_60, %add3A_324 : vector<16xi32>
      %gather3A_326 = tpu.vector_load_idx %arg5[%add3A_325] : memref<6500xf32, #tpu.memory_space<vmem>>[vector<16xi32>], vector<16xf32>,
      %mul3A_327 = arith.constant 16 : i32
      %mul3A_328 = arith.muli %scan3A_54, %mul3A_327 : i32
      %swap3A_329 = arith.constant 24 : i32
      %swap3A_330 = arith.index_cast %swap3A_329 : i32 to index
      %swap3A_331 = arith.index_cast %mul3A_328 : i32 to index
      %swap3A_332 = tpu.vector_load %arg7[%swap3A_330, %swap3A_331] {strides = array<i32>} : memref<64x512xf32, #tpu.memory_space<vmem>>, vector<16xf32>,
      tpu.vector_store %arg7[%swap3A_330, %swap3A_331], %gather3A_266 {strides = array<i32>} : memref<64x512xf32, #tpu.memory_space<vmem>>, vector<16xf32>,
      %add3A_333 = arith.constant 31 : i32
      %add3A_334 = vector.broadcast %add3A_333 : i32 to vector<16xi32>
      %add3A_335 = arith.addi %mul3A_60, %add3A_334 : vector<16xi32>
      %gather3A_336 = tpu.vector_load_idx %arg5[%add3A_335] : memref<6500xf32, #tpu.memory_space<vmem>>[vector<16xi32>], vector<16xf32>,
      %mul3A_337 = arith.constant 16 : i32
      %mul3A_338 = arith.muli %scan3A_54, %mul3A_337 : i32
      %swap3A_339 = arith.constant 25 : i32
      %swap3A_340 = arith.index_cast %swap3A_339 : i32 to index
      %swap3A_341 = arith.index_cast %mul3A_338 : i32 to index
      %swap3A_342 = tpu.vector_load %arg7[%swap3A_340, %swap3A_341] {strides = array<i32>} : memref<64x512xf32, #tpu.memory_space<vmem>>, vector<16xf32>,
      tpu.vector_store %arg7[%swap3A_340, %swap3A_341], %gather3A_276 {strides = array<i32>} : memref<64x512xf32, #tpu.memory_space<vmem>>, vector<16xf32>,
      %add3A_343 = arith.constant 32 : i32
      %add3A_344 = vector.broadcast %add3A_343 : i32 to vector<16xi32>
      %add3A_345 = arith.addi %mul3A_60, %add3A_344 : vector<16xi32>
      %gather3A_346 = tpu.vector_load_idx %arg5[%add3A_345] : memref<6500xf32, #tpu.memory_space<vmem>>[vector<16xi32>], vector<16xf32>,
      %mul3A_347 = arith.constant 16 : i32
      %mul3A_348 = arith.muli %scan3A_54, %mul3A_347 : i32
      %swap3A_349 = arith.constant 26 : i32
      %swap3A_350 = arith.index_cast %swap3A_349 : i32 to index
      %swap3A_351 = arith.index_cast %mul3A_348 : i32 to index
      %swap3A_352 = tpu.vector_load %arg7[%swap3A_350, %swap3A_351] {strides = array<i32>} : memref<64x512xf32, #tpu.memory_space<vmem>>, vector<16xf32>,
      tpu.vector_store %arg7[%swap3A_350, %swap3A_351], %gather3A_286 {strides = array<i32>} : memref<64x512xf32, #tpu.memory_space<vmem>>, vector<16xf32>,
      %add3A_353 = arith.constant 33 : i32
      %add3A_354 = vector.broadcast %add3A_353 : i32 to vector<16xi32>
      %add3A_355 = arith.addi %mul3A_60, %add3A_354 : vector<16xi32>
      %gather3A_356 = tpu.vector_load_idx %arg5[%add3A_355] : memref<6500xf32, #tpu.memory_space<vmem>>[vector<16xi32>], vector<16xf32>,
      %mul3A_357 = arith.constant 16 : i32
      %mul3A_358 = arith.muli %scan3A_54, %mul3A_357 : i32
      %swap3A_359 = arith.constant 27 : i32
      %swap3A_360 = arith.index_cast %swap3A_359 : i32 to index
      %swap3A_361 = arith.index_cast %mul3A_358 : i32 to index
      %swap3A_362 = tpu.vector_load %arg7[%swap3A_360, %swap3A_361] {strides = array<i32>} : memref<64x512xf32, #tpu.memory_space<vmem>>, vector<16xf32>,
      tpu.vector_store %arg7[%swap3A_360, %swap3A_361], %gather3A_296 {strides = array<i32>} : memref<64x512xf32, #tpu.memory_space<vmem>>, vector<16xf32>,
      %add3A_363 = arith.constant 34 : i32
      %add3A_364 = vector.broadcast %add3A_363 : i32 to vector<16xi32>
      %add3A_365 = arith.addi %mul3A_60, %add3A_364 : vector<16xi32>
      %gather3A_366 = tpu.vector_load_idx %arg5[%add3A_365] : memref<6500xf32, #tpu.memory_space<vmem>>[vector<16xi32>], vector<16xf32>,
      %mul3A_367 = arith.constant 16 : i32
      %mul3A_368 = arith.muli %scan3A_54, %mul3A_367 : i32
      %swap3A_369 = arith.constant 28 : i32
      %swap3A_370 = arith.index_cast %swap3A_369 : i32 to index
      %swap3A_371 = arith.index_cast %mul3A_368 : i32 to index
      %swap3A_372 = tpu.vector_load %arg7[%swap3A_370, %swap3A_371] {strides = array<i32>} : memref<64x512xf32, #tpu.memory_space<vmem>>, vector<16xf32>,
      tpu.vector_store %arg7[%swap3A_370, %swap3A_371], %gather3A_306 {strides = array<i32>} : memref<64x512xf32, #tpu.memory_space<vmem>>, vector<16xf32>,
      %add3A_373 = arith.constant 35 : i32
      %add3A_374 = vector.broadcast %add3A_373 : i32 to vector<16xi32>
      %add3A_375 = arith.addi %mul3A_60, %add3A_374 : vector<16xi32>
      %gather3A_376 = tpu.vector_load_idx %arg5[%add3A_375] : memref<6500xf32, #tpu.memory_space<vmem>>[vector<16xi32>], vector<16xf32>,
      %mul3A_377 = arith.constant 16 : i32
      %mul3A_378 = arith.muli %scan3A_54, %mul3A_377 : i32
      %swap3A_379 = arith.constant 29 : i32
      %swap3A_380 = arith.index_cast %swap3A_379 : i32 to index
      %swap3A_381 = arith.index_cast %mul3A_378 : i32 to index
      %swap3A_382 = tpu.vector_load %arg7[%swap3A_380, %swap3A_381] {strides = array<i32>} : memref<64x512xf32, #tpu.memory_space<vmem>>, vector<16xf32>,
      tpu.vector_store %arg7[%swap3A_380, %swap3A_381], %gather3A_316 {strides = array<i32>} : memref<64x512xf32, #tpu.memory_space<vmem>>, vector<16xf32>,
      %add3A_383 = arith.constant 36 : i32
      %add3A_384 = vector.broadcast %add3A_383 : i32 to vector<16xi32>
      %add3A_385 = arith.addi %mul3A_60, %add3A_384 : vector<16xi32>
      %gather3A_386 = tpu.vector_load_idx %arg5[%add3A_385] : memref<6500xf32, #tpu.memory_space<vmem>>[vector<16xi32>], vector<16xf32>,
      %mul3A_387 = arith.constant 16 : i32
      %mul3A_388 = arith.muli %scan3A_54, %mul3A_387 : i32
      %swap3A_389 = arith.constant 30 : i32
      %swap3A_390 = arith.index_cast %swap3A_389 : i32 to index
      %swap3A_391 = arith.index_cast %mul3A_388 : i32 to index
      %swap3A_392 = tpu.vector_load %arg7[%swap3A_390, %swap3A_391] {strides = array<i32>} : memref<64x512xf32, #tpu.memory_space<vmem>>, vector<16xf32>,
      tpu.vector_store %arg7[%swap3A_390, %swap3A_391], %gather3A_326 {strides = array<i32>} : memref<64x512xf32, #tpu.memory_space<vmem>>, vector<16xf32>,
      %add3A_393 = arith.constant 37 : i32
      %add3A_394 = vector.broadcast %add3A_393 : i32 to vector<16xi32>
      %add3A_395 = arith.addi %mul3A_60, %add3A_394 : vector<16xi32>
      %gather3A_396 = tpu.vector_load_idx %arg5[%add3A_395] : memref<6500xf32, #tpu.memory_space<vmem>>[vector<16xi32>], vector<16xf32>,
      %mul3A_397 = arith.constant 16 : i32
      %mul3A_398 = arith.muli %scan3A_54, %mul3A_397 : i32
      %swap3A_399 = arith.constant 31 : i32
      %swap3A_400 = arith.index_cast %swap3A_399 : i32 to index
      %swap3A_401 = arith.index_cast %mul3A_398 : i32 to index
      %swap3A_402 = tpu.vector_load %arg7[%swap3A_400, %swap3A_401] {strides = array<i32>} : memref<64x512xf32, #tpu.memory_space<vmem>>, vector<16xf32>,
      tpu.vector_store %arg7[%swap3A_400, %swap3A_401], %gather3A_336 {strides = array<i32>} : memref<64x512xf32, #tpu.memory_space<vmem>>, vector<16xf32>,
      %add3A_403 = arith.constant 38 : i32
      %add3A_404 = vector.broadcast %add3A_403 : i32 to vector<16xi32>
      %add3A_405 = arith.addi %mul3A_60, %add3A_404 : vector<16xi32>
      %gather3A_406 = tpu.vector_load_idx %arg5[%add3A_405] : memref<6500xf32, #tpu.memory_space<vmem>>[vector<16xi32>], vector<16xf32>,
      %mul3A_407 = arith.constant 16 : i32
      %mul3A_408 = arith.muli %scan3A_54, %mul3A_407 : i32
      %swap3A_409 = arith.constant 32 : i32
      %swap3A_410 = arith.index_cast %swap3A_409 : i32 to index
      %swap3A_411 = arith.index_cast %mul3A_408 : i32 to index
      %swap3A_412 = tpu.vector_load %arg7[%swap3A_410, %swap3A_411] {strides = array<i32>} : memref<64x512xf32, #tpu.memory_space<vmem>>, vector<16xf32>,
      tpu.vector_store %arg7[%swap3A_410, %swap3A_411], %gather3A_346 {strides = array<i32>} : memref<64x512xf32, #tpu.memory_space<vmem>>, vector<16xf32>,
      %add3A_413 = arith.constant 39 : i32
      %add3A_414 = vector.broadcast %add3A_413 : i32 to vector<16xi32>
      %add3A_415 = arith.addi %mul3A_60, %add3A_414 : vector<16xi32>
      %gather3A_416 = tpu.vector_load_idx %arg5[%add3A_415] : memref<6500xf32, #tpu.memory_space<vmem>>[vector<16xi32>], vector<16xf32>,
      %mul3A_417 = arith.constant 16 : i32
      %mul3A_418 = arith.muli %scan3A_54, %mul3A_417 : i32
      %swap3A_419 = arith.constant 33 : i32
      %swap3A_420 = arith.index_cast %swap3A_419 : i32 to index
      %swap3A_421 = arith.index_cast %mul3A_418 : i32 to index
      %swap3A_422 = tpu.vector_load %arg7[%swap3A_420, %swap3A_421] {strides = array<i32>} : memref<64x512xf32, #tpu.memory_space<vmem>>, vector<16xf32>,
      tpu.vector_store %arg7[%swap3A_420, %swap3A_421], %gather3A_356 {strides = array<i32>} : memref<64x512xf32, #tpu.memory_space<vmem>>, vector<16xf32>,
      %add3A_423 = arith.constant 40 : i32
      %add3A_424 = vector.broadcast %add3A_423 : i32 to vector<16xi32>
      %add3A_425 = arith.addi %mul3A_60, %add3A_424 : vector<16xi32>
      %gather3A_426 = tpu.vector_load_idx %arg5[%add3A_425] : memref<6500xf32, #tpu.memory_space<vmem>>[vector<16xi32>], vector<16xf32>,
      %mul3A_427 = arith.constant 16 : i32
      %mul3A_428 = arith.muli %scan3A_54, %mul3A_427 : i32
      %swap3A_429 = arith.constant 34 : i32
      %swap3A_430 = arith.index_cast %swap3A_429 : i32 to index
      %swap3A_431 = arith.index_cast %mul3A_428 : i32 to index
      %swap3A_432 = tpu.vector_load %arg7[%swap3A_430, %swap3A_431] {strides = array<i32>} : memref<64x512xf32, #tpu.memory_space<vmem>>, vector<16xf32>,
      tpu.vector_store %arg7[%swap3A_430, %swap3A_431], %gather3A_366 {strides = array<i32>} : memref<64x512xf32, #tpu.memory_space<vmem>>, vector<16xf32>,
      %add3A_433 = arith.constant 41 : i32
      %add3A_434 = vector.broadcast %add3A_433 : i32 to vector<16xi32>
      %add3A_435 = arith.addi %mul3A_60, %add3A_434 : vector<16xi32>
      %gather3A_436 = tpu.vector_load_idx %arg5[%add3A_435] : memref<6500xf32, #tpu.memory_space<vmem>>[vector<16xi32>], vector<16xf32>,
      %mul3A_437 = arith.constant 16 : i32
      %mul3A_438 = arith.muli %scan3A_54, %mul3A_437 : i32
      %swap3A_439 = arith.constant 35 : i32
      %swap3A_440 = arith.index_cast %swap3A_439 : i32 to index
      %swap3A_441 = arith.index_cast %mul3A_438 : i32 to index
      %swap3A_442 = tpu.vector_load %arg7[%swap3A_440, %swap3A_441] {strides = array<i32>} : memref<64x512xf32, #tpu.memory_space<vmem>>, vector<16xf32>,
      tpu.vector_store %arg7[%swap3A_440, %swap3A_441], %gather3A_376 {strides = array<i32>} : memref<64x512xf32, #tpu.memory_space<vmem>>, vector<16xf32>,
      %add3A_443 = arith.constant 42 : i32
      %add3A_444 = vector.broadcast %add3A_443 : i32 to vector<16xi32>
      %add3A_445 = arith.addi %mul3A_60, %add3A_444 : vector<16xi32>
      %gather3A_446 = tpu.vector_load_idx %arg5[%add3A_445] : memref<6500xf32, #tpu.memory_space<vmem>>[vector<16xi32>], vector<16xf32>,
      %mul3A_447 = arith.constant 16 : i32
      %mul3A_448 = arith.muli %scan3A_54, %mul3A_447 : i32
      %swap3A_449 = arith.constant 36 : i32
      %swap3A_450 = arith.index_cast %swap3A_449 : i32 to index
      %swap3A_451 = arith.index_cast %mul3A_448 : i32 to index
      %swap3A_452 = tpu.vector_load %arg7[%swap3A_450, %swap3A_451] {strides = array<i32>} : memref<64x512xf32, #tpu.memory_space<vmem>>, vector<16xf32>,
      tpu.vector_store %arg7[%swap3A_450, %swap3A_451], %gather3A_386 {strides = array<i32>} : memref<64x512xf32, #tpu.memory_space<vmem>>, vector<16xf32>,
      %add3A_453 = arith.constant 43 : i32
      %add3A_454 = vector.broadcast %add3A_453 : i32 to vector<16xi32>
      %add3A_455 = arith.addi %mul3A_60, %add3A_454 : vector<16xi32>
      %gather3A_456 = tpu.vector_load_idx %arg5[%add3A_455] : memref<6500xf32, #tpu.memory_space<vmem>>[vector<16xi32>], vector<16xf32>,
      %mul3A_457 = arith.constant 16 : i32
      %mul3A_458 = arith.muli %scan3A_54, %mul3A_457 : i32
      %swap3A_459 = arith.constant 37 : i32
      %swap3A_460 = arith.index_cast %swap3A_459 : i32 to index
      %swap3A_461 = arith.index_cast %mul3A_458 : i32 to index
      %swap3A_462 = tpu.vector_load %arg7[%swap3A_460, %swap3A_461] {strides = array<i32>} : memref<64x512xf32, #tpu.memory_space<vmem>>, vector<16xf32>,
      tpu.vector_store %arg7[%swap3A_460, %swap3A_461], %gather3A_396 {strides = array<i32>} : memref<64x512xf32, #tpu.memory_space<vmem>>, vector<16xf32>,
      %add3A_463 = arith.constant 44 : i32
      %add3A_464 = vector.broadcast %add3A_463 : i32 to vector<16xi32>
      %add3A_465 = arith.addi %mul3A_60, %add3A_464 : vector<16xi32>
      %gather3A_466 = tpu.vector_load_idx %arg5[%add3A_465] : memref<6500xf32, #tpu.memory_space<vmem>>[vector<16xi32>], vector<16xf32>,
      %mul3A_467 = arith.constant 16 : i32
      %mul3A_468 = arith.muli %scan3A_54, %mul3A_467 : i32
      %swap3A_469 = arith.constant 38 : i32
      %swap3A_470 = arith.index_cast %swap3A_469 : i32 to index
      %swap3A_471 = arith.index_cast %mul3A_468 : i32 to index
      %swap3A_472 = tpu.vector_load %arg7[%swap3A_470, %swap3A_471] {strides = array<i32>} : memref<64x512xf32, #tpu.memory_space<vmem>>, vector<16xf32>,
      tpu.vector_store %arg7[%swap3A_470, %swap3A_471], %gather3A_406 {strides = array<i32>} : memref<64x512xf32, #tpu.memory_space<vmem>>, vector<16xf32>,
      %add3A_473 = arith.constant 45 : i32
      %add3A_474 = vector.broadcast %add3A_473 : i32 to vector<16xi32>
      %add3A_475 = arith.addi %mul3A_60, %add3A_474 : vector<16xi32>
      %gather3A_476 = tpu.vector_load_idx %arg5[%add3A_475] : memref<6500xf32, #tpu.memory_space<vmem>>[vector<16xi32>], vector<16xf32>,
      %mul3A_477 = arith.constant 16 : i32
      %mul3A_478 = arith.muli %scan3A_54, %mul3A_477 : i32
      %swap3A_479 = arith.constant 39 : i32
      %swap3A_480 = arith.index_cast %swap3A_479 : i32 to index
      %swap3A_481 = arith.index_cast %mul3A_478 : i32 to index
      %swap3A_482 = tpu.vector_load %arg7[%swap3A_480, %swap3A_481] {strides = array<i32>} : memref<64x512xf32, #tpu.memory_space<vmem>>, vector<16xf32>,
      tpu.vector_store %arg7[%swap3A_480, %swap3A_481], %gather3A_416 {strides = array<i32>} : memref<64x512xf32, #tpu.memory_space<vmem>>, vector<16xf32>,
      %add3A_483 = arith.constant 46 : i32
      %add3A_484 = vector.broadcast %add3A_483 : i32 to vector<16xi32>
      %add3A_485 = arith.addi %mul3A_60, %add3A_484 : vector<16xi32>
      %gather3A_486 = tpu.vector_load_idx %arg5[%add3A_485] : memref<6500xf32, #tpu.memory_space<vmem>>[vector<16xi32>], vector<16xf32>,
      %mul3A_487 = arith.constant 16 : i32
      %mul3A_488 = arith.muli %scan3A_54, %mul3A_487 : i32
      %swap3A_489 = arith.constant 40 : i32
      %swap3A_490 = arith.index_cast %swap3A_489 : i32 to index
      %swap3A_491 = arith.index_cast %mul3A_488 : i32 to index
      %swap3A_492 = tpu.vector_load %arg7[%swap3A_490, %swap3A_491] {strides = array<i32>} : memref<64x512xf32, #tpu.memory_space<vmem>>, vector<16xf32>,
      tpu.vector_store %arg7[%swap3A_490, %swap3A_491], %gather3A_426 {strides = array<i32>} : memref<64x512xf32, #tpu.memory_space<vmem>>, vector<16xf32>,
      %add3A_493 = arith.constant 47 : i32
      %add3A_494 = vector.broadcast %add3A_493 : i32 to vector<16xi32>
      %add3A_495 = arith.addi %mul3A_60, %add3A_494 : vector<16xi32>
      %gather3A_496 = tpu.vector_load_idx %arg5[%add3A_495] : memref<6500xf32, #tpu.memory_space<vmem>>[vector<16xi32>], vector<16xf32>,
      %mul3A_497 = arith.constant 16 : i32
      %mul3A_498 = arith.muli %scan3A_54, %mul3A_497 : i32
      %swap3A_499 = arith.constant 41 : i32
      %swap3A_500 = arith.index_cast %swap3A_499 : i32 to index
      %swap3A_501 = arith.index_cast %mul3A_498 : i32 to index
      %swap3A_502 = tpu.vector_load %arg7[%swap3A_500, %swap3A_501] {strides = array<i32>} : memref<64x512xf32, #tpu.memory_space<vmem>>, vector<16xf32>,
      tpu.vector_store %arg7[%swap3A_500, %swap3A_501], %gather3A_436 {strides = array<i32>} : memref<64x512xf32, #tpu.memory_space<vmem>>, vector<16xf32>,
      %add3A_503 = arith.constant 48 : i32
      %add3A_504 = vector.broadcast %add3A_503 : i32 to vector<16xi32>
      %add3A_505 = arith.addi %mul3A_60, %add3A_504 : vector<16xi32>
      %gather3A_506 = tpu.vector_load_idx %arg5[%add3A_505] : memref<6500xf32, #tpu.memory_space<vmem>>[vector<16xi32>], vector<16xf32>,
      %mul3A_507 = arith.constant 16 : i32
      %mul3A_508 = arith.muli %scan3A_54, %mul3A_507 : i32
      %swap3A_509 = arith.constant 42 : i32
      %swap3A_510 = arith.index_cast %swap3A_509 : i32 to index
      %swap3A_511 = arith.index_cast %mul3A_508 : i32 to index
      %swap3A_512 = tpu.vector_load %arg7[%swap3A_510, %swap3A_511] {strides = array<i32>} : memref<64x512xf32, #tpu.memory_space<vmem>>, vector<16xf32>,
      tpu.vector_store %arg7[%swap3A_510, %swap3A_511], %gather3A_446 {strides = array<i32>} : memref<64x512xf32, #tpu.memory_space<vmem>>, vector<16xf32>,
      %add3A_513 = arith.constant 49 : i32
      %add3A_514 = vector.broadcast %add3A_513 : i32 to vector<16xi32>
      %add3A_515 = arith.addi %mul3A_60, %add3A_514 : vector<16xi32>
      %gather3A_516 = tpu.vector_load_idx %arg5[%add3A_515] : memref<6500xf32, #tpu.memory_space<vmem>>[vector<16xi32>], vector<16xf32>,
      %mul3A_517 = arith.constant 16 : i32
      %mul3A_518 = arith.muli %scan3A_54, %mul3A_517 : i32
      %swap3A_519 = arith.constant 43 : i32
      %swap3A_520 = arith.index_cast %swap3A_519 : i32 to index
      %swap3A_521 = arith.index_cast %mul3A_518 : i32 to index
      %swap3A_522 = tpu.vector_load %arg7[%swap3A_520, %swap3A_521] {strides = array<i32>} : memref<64x512xf32, #tpu.memory_space<vmem>>, vector<16xf32>,
      tpu.vector_store %arg7[%swap3A_520, %swap3A_521], %gather3A_456 {strides = array<i32>} : memref<64x512xf32, #tpu.memory_space<vmem>>, vector<16xf32>,
      %add3A_523 = arith.constant 50 : i32
      %add3A_524 = vector.broadcast %add3A_523 : i32 to vector<16xi32>
      %add3A_525 = arith.addi %mul3A_60, %add3A_524 : vector<16xi32>
      %gather3A_526 = tpu.vector_load_idx %arg5[%add3A_525] : memref<6500xf32, #tpu.memory_space<vmem>>[vector<16xi32>], vector<16xf32>,
      %mul3A_527 = arith.constant 16 : i32
      %mul3A_528 = arith.muli %scan3A_54, %mul3A_527 : i32
      %swap3A_529 = arith.constant 44 : i32
      %swap3A_530 = arith.index_cast %swap3A_529 : i32 to index
      %swap3A_531 = arith.index_cast %mul3A_528 : i32 to index
      %swap3A_532 = tpu.vector_load %arg7[%swap3A_530, %swap3A_531] {strides = array<i32>} : memref<64x512xf32, #tpu.memory_space<vmem>>, vector<16xf32>,
      tpu.vector_store %arg7[%swap3A_530, %swap3A_531], %gather3A_466 {strides = array<i32>} : memref<64x512xf32, #tpu.memory_space<vmem>>, vector<16xf32>,
      %add3A_533 = arith.constant 51 : i32
      %add3A_534 = vector.broadcast %add3A_533 : i32 to vector<16xi32>
      %add3A_535 = arith.addi %mul3A_60, %add3A_534 : vector<16xi32>
      %gather3A_536 = tpu.vector_load_idx %arg5[%add3A_535] : memref<6500xf32, #tpu.memory_space<vmem>>[vector<16xi32>], vector<16xf32>,
      %mul3A_537 = arith.constant 16 : i32
      %mul3A_538 = arith.muli %scan3A_54, %mul3A_537 : i32
      %swap3A_539 = arith.constant 45 : i32
      %swap3A_540 = arith.index_cast %swap3A_539 : i32 to index
      %swap3A_541 = arith.index_cast %mul3A_538 : i32 to index
      %swap3A_542 = tpu.vector_load %arg7[%swap3A_540, %swap3A_541] {strides = array<i32>} : memref<64x512xf32, #tpu.memory_space<vmem>>, vector<16xf32>,
      tpu.vector_store %arg7[%swap3A_540, %swap3A_541], %gather3A_476 {strides = array<i32>} : memref<64x512xf32, #tpu.memory_space<vmem>>, vector<16xf32>,
      %add3A_543 = arith.constant 52 : i32
      %add3A_544 = vector.broadcast %add3A_543 : i32 to vector<16xi32>
      %add3A_545 = arith.addi %mul3A_60, %add3A_544 : vector<16xi32>
      %gather3A_546 = tpu.vector_load_idx %arg5[%add3A_545] : memref<6500xf32, #tpu.memory_space<vmem>>[vector<16xi32>], vector<16xf32>,
      %mul3A_547 = arith.constant 16 : i32
      %mul3A_548 = arith.muli %scan3A_54, %mul3A_547 : i32
      %swap3A_549 = arith.constant 46 : i32
      %swap3A_550 = arith.index_cast %swap3A_549 : i32 to index
      %swap3A_551 = arith.index_cast %mul3A_548 : i32 to index
      %swap3A_552 = tpu.vector_load %arg7[%swap3A_550, %swap3A_551] {strides = array<i32>} : memref<64x512xf32, #tpu.memory_space<vmem>>, vector<16xf32>,
      tpu.vector_store %arg7[%swap3A_550, %swap3A_551], %gather3A_486 {strides = array<i32>} : memref<64x512xf32, #tpu.memory_space<vmem>>, vector<16xf32>,
      %add3A_553 = arith.constant 53 : i32
      %add3A_554 = vector.broadcast %add3A_553 : i32 to vector<16xi32>
      %add3A_555 = arith.addi %mul3A_60, %add3A_554 : vector<16xi32>
      %gather3A_556 = tpu.vector_load_idx %arg5[%add3A_555] : memref<6500xf32, #tpu.memory_space<vmem>>[vector<16xi32>], vector<16xf32>,
      %mul3A_557 = arith.constant 16 : i32
      %mul3A_558 = arith.muli %scan3A_54, %mul3A_557 : i32
      %swap3A_559 = arith.constant 47 : i32
      %swap3A_560 = arith.index_cast %swap3A_559 : i32 to index
      %swap3A_561 = arith.index_cast %mul3A_558 : i32 to index
      %swap3A_562 = tpu.vector_load %arg7[%swap3A_560, %swap3A_561] {strides = array<i32>} : memref<64x512xf32, #tpu.memory_space<vmem>>, vector<16xf32>,
      tpu.vector_store %arg7[%swap3A_560, %swap3A_561], %gather3A_496 {strides = array<i32>} : memref<64x512xf32, #tpu.memory_space<vmem>>, vector<16xf32>,
      %add3A_563 = arith.constant 54 : i32
      %add3A_564 = vector.broadcast %add3A_563 : i32 to vector<16xi32>
      %add3A_565 = arith.addi %mul3A_60, %add3A_564 : vector<16xi32>
      %gather3A_566 = tpu.vector_load_idx %arg5[%add3A_565] : memref<6500xf32, #tpu.memory_space<vmem>>[vector<16xi32>], vector<16xf32>,
      %mul3A_567 = arith.constant 16 : i32
      %mul3A_568 = arith.muli %scan3A_54, %mul3A_567 : i32
      %swap3A_569 = arith.constant 48 : i32
      %swap3A_570 = arith.index_cast %swap3A_569 : i32 to index
      %swap3A_571 = arith.index_cast %mul3A_568 : i32 to index
      %swap3A_572 = tpu.vector_load %arg7[%swap3A_570, %swap3A_571] {strides = array<i32>} : memref<64x512xf32, #tpu.memory_space<vmem>>, vector<16xf32>,
      tpu.vector_store %arg7[%swap3A_570, %swap3A_571], %gather3A_506 {strides = array<i32>} : memref<64x512xf32, #tpu.memory_space<vmem>>, vector<16xf32>,
      %add3A_573 = arith.constant 55 : i32
      %add3A_574 = vector.broadcast %add3A_573 : i32 to vector<16xi32>
      %add3A_575 = arith.addi %mul3A_60, %add3A_574 : vector<16xi32>
      %gather3A_576 = tpu.vector_load_idx %arg5[%add3A_575] : memref<6500xf32, #tpu.memory_space<vmem>>[vector<16xi32>], vector<16xf32>,
      %mul3A_577 = arith.constant 16 : i32
      %mul3A_578 = arith.muli %scan3A_54, %mul3A_577 : i32
      %swap3A_579 = arith.constant 49 : i32
      %swap3A_580 = arith.index_cast %swap3A_579 : i32 to index
      %swap3A_581 = arith.index_cast %mul3A_578 : i32 to index
      %swap3A_582 = tpu.vector_load %arg7[%swap3A_580, %swap3A_581] {strides = array<i32>} : memref<64x512xf32, #tpu.memory_space<vmem>>, vector<16xf32>,
      tpu.vector_store %arg7[%swap3A_580, %swap3A_581], %gather3A_516 {strides = array<i32>} : memref<64x512xf32, #tpu.memory_space<vmem>>, vector<16xf32>,
      %add3A_583 = arith.constant 56 : i32
      %add3A_584 = vector.broadcast %add3A_583 : i32 to vector<16xi32>
      %add3A_585 = arith.addi %mul3A_60, %add3A_584 : vector<16xi32>
      %gather3A_586 = tpu.vector_load_idx %arg5[%add3A_585] : memref<6500xf32, #tpu.memory_space<vmem>>[vector<16xi32>], vector<16xf32>,
      %mul3A_587 = arith.constant 16 : i32
      %mul3A_588 = arith.muli %scan3A_54, %mul3A_587 : i32
      %swap3A_589 = arith.constant 50 : i32
      %swap3A_590 = arith.index_cast %swap3A_589 : i32 to index
      %swap3A_591 = arith.index_cast %mul3A_588 : i32 to index
      %swap3A_592 = tpu.vector_load %arg7[%swap3A_590, %swap3A_591] {strides = array<i32>} : memref<64x512xf32, #tpu.memory_space<vmem>>, vector<16xf32>,
      tpu.vector_store %arg7[%swap3A_590, %swap3A_591], %gather3A_526 {strides = array<i32>} : memref<64x512xf32, #tpu.memory_space<vmem>>, vector<16xf32>,
      %add3A_593 = arith.constant 57 : i32
      %add3A_594 = vector.broadcast %add3A_593 : i32 to vector<16xi32>
      %add3A_595 = arith.addi %mul3A_60, %add3A_594 : vector<16xi32>
      %gather3A_596 = tpu.vector_load_idx %arg5[%add3A_595] : memref<6500xf32, #tpu.memory_space<vmem>>[vector<16xi32>], vector<16xf32>,
      %mul3A_597 = arith.constant 16 : i32
      %mul3A_598 = arith.muli %scan3A_54, %mul3A_597 : i32
      %swap3A_599 = arith.constant 51 : i32
      %swap3A_600 = arith.index_cast %swap3A_599 : i32 to index
      %swap3A_601 = arith.index_cast %mul3A_598 : i32 to index
      %swap3A_602 = tpu.vector_load %arg7[%swap3A_600, %swap3A_601] {strides = array<i32>} : memref<64x512xf32, #tpu.memory_space<vmem>>, vector<16xf32>,
      tpu.vector_store %arg7[%swap3A_600, %swap3A_601], %gather3A_536 {strides = array<i32>} : memref<64x512xf32, #tpu.memory_space<vmem>>, vector<16xf32>,
      %add3A_603 = arith.constant 58 : i32
      %add3A_604 = vector.broadcast %add3A_603 : i32 to vector<16xi32>
      %add3A_605 = arith.addi %mul3A_60, %add3A_604 : vector<16xi32>
      %gather3A_606 = tpu.vector_load_idx %arg5[%add3A_605] : memref<6500xf32, #tpu.memory_space<vmem>>[vector<16xi32>], vector<16xf32>,
      %mul3A_607 = arith.constant 16 : i32
      %mul3A_608 = arith.muli %scan3A_54, %mul3A_607 : i32
      %swap3A_609 = arith.constant 52 : i32
      %swap3A_610 = arith.index_cast %swap3A_609 : i32 to index
      %swap3A_611 = arith.index_cast %mul3A_608 : i32 to index
      %swap3A_612 = tpu.vector_load %arg7[%swap3A_610, %swap3A_611] {strides = array<i32>} : memref<64x512xf32, #tpu.memory_space<vmem>>, vector<16xf32>,
      tpu.vector_store %arg7[%swap3A_610, %swap3A_611], %gather3A_546 {strides = array<i32>} : memref<64x512xf32, #tpu.memory_space<vmem>>, vector<16xf32>,
      %add3A_613 = arith.constant 59 : i32
      %add3A_614 = vector.broadcast %add3A_613 : i32 to vector<16xi32>
      %add3A_615 = arith.addi %mul3A_60, %add3A_614 : vector<16xi32>
      %gather3A_616 = tpu.vector_load_idx %arg5[%add3A_615] : memref<6500xf32, #tpu.memory_space<vmem>>[vector<16xi32>], vector<16xf32>,
      %mul3A_617 = arith.constant 16 : i32
      %mul3A_618 = arith.muli %scan3A_54, %mul3A_617 : i32
      %swap3A_619 = arith.constant 53 : i32
      %swap3A_620 = arith.index_cast %swap3A_619 : i32 to index
      %swap3A_621 = arith.index_cast %mul3A_618 : i32 to index
      %swap3A_622 = tpu.vector_load %arg7[%swap3A_620, %swap3A_621] {strides = array<i32>} : memref<64x512xf32, #tpu.memory_space<vmem>>, vector<16xf32>,
      tpu.vector_store %arg7[%swap3A_620, %swap3A_621], %gather3A_556 {strides = array<i32>} : memref<64x512xf32, #tpu.memory_space<vmem>>, vector<16xf32>,
      %add3A_623 = arith.constant 60 : i32
      %add3A_624 = vector.broadcast %add3A_623 : i32 to vector<16xi32>
      %add3A_625 = arith.addi %mul3A_60, %add3A_624 : vector<16xi32>
      %gather3A_626 = tpu.vector_load_idx %arg5[%add3A_625] : memref<6500xf32, #tpu.memory_space<vmem>>[vector<16xi32>], vector<16xf32>,
      %mul3A_627 = arith.constant 16 : i32
      %mul3A_628 = arith.muli %scan3A_54, %mul3A_627 : i32
      %swap3A_629 = arith.constant 54 : i32
      %swap3A_630 = arith.index_cast %swap3A_629 : i32 to index
      %swap3A_631 = arith.index_cast %mul3A_628 : i32 to index
      %swap3A_632 = tpu.vector_load %arg7[%swap3A_630, %swap3A_631] {strides = array<i32>} : memref<64x512xf32, #tpu.memory_space<vmem>>, vector<16xf32>,
      tpu.vector_store %arg7[%swap3A_630, %swap3A_631], %gather3A_566 {strides = array<i32>} : memref<64x512xf32, #tpu.memory_space<vmem>>, vector<16xf32>,
      %add3A_633 = arith.constant 61 : i32
      %add3A_634 = vector.broadcast %add3A_633 : i32 to vector<16xi32>
      %add3A_635 = arith.addi %mul3A_60, %add3A_634 : vector<16xi32>
      %gather3A_636 = tpu.vector_load_idx %arg5[%add3A_635] : memref<6500xf32, #tpu.memory_space<vmem>>[vector<16xi32>], vector<16xf32>,
      %mul3A_637 = arith.constant 16 : i32
      %mul3A_638 = arith.muli %scan3A_54, %mul3A_637 : i32
      %swap3A_639 = arith.constant 55 : i32
      %swap3A_640 = arith.index_cast %swap3A_639 : i32 to index
      %swap3A_641 = arith.index_cast %mul3A_638 : i32 to index
      %swap3A_642 = tpu.vector_load %arg7[%swap3A_640, %swap3A_641] {strides = array<i32>} : memref<64x512xf32, #tpu.memory_space<vmem>>, vector<16xf32>,
      tpu.vector_store %arg7[%swap3A_640, %swap3A_641], %gather3A_576 {strides = array<i32>} : memref<64x512xf32, #tpu.memory_space<vmem>>, vector<16xf32>,
      %add3A_643 = arith.constant 62 : i32
      %add3A_644 = vector.broadcast %add3A_643 : i32 to vector<16xi32>
      %add3A_645 = arith.addi %mul3A_60, %add3A_644 : vector<16xi32>
      %gather3A_646 = tpu.vector_load_idx %arg5[%add3A_645] : memref<6500xf32, #tpu.memory_space<vmem>>[vector<16xi32>], vector<16xf32>,
      %mul3A_647 = arith.constant 16 : i32
      %mul3A_648 = arith.muli %scan3A_54, %mul3A_647 : i32
      %swap3A_649 = arith.constant 56 : i32
      %swap3A_650 = arith.index_cast %swap3A_649 : i32 to index
      %swap3A_651 = arith.index_cast %mul3A_648 : i32 to index
      %swap3A_652 = tpu.vector_load %arg7[%swap3A_650, %swap3A_651] {strides = array<i32>} : memref<64x512xf32, #tpu.memory_space<vmem>>, vector<16xf32>,
      tpu.vector_store %arg7[%swap3A_650, %swap3A_651], %gather3A_586 {strides = array<i32>} : memref<64x512xf32, #tpu.memory_space<vmem>>, vector<16xf32>,
      %add3A_653 = arith.constant 63 : i32
      %add3A_654 = vector.broadcast %add3A_653 : i32 to vector<16xi32>
      %add3A_655 = arith.addi %mul3A_60, %add3A_654 : vector<16xi32>
      %gather3A_656 = tpu.vector_load_idx %arg5[%add3A_655] : memref<6500xf32, #tpu.memory_space<vmem>>[vector<16xi32>], vector<16xf32>,
      %mul3A_657 = arith.constant 16 : i32
      %mul3A_658 = arith.muli %scan3A_54, %mul3A_657 : i32
      %swap3A_659 = arith.constant 57 : i32
      %swap3A_660 = arith.index_cast %swap3A_659 : i32 to index
      %swap3A_661 = arith.index_cast %mul3A_658 : i32 to index
      %swap3A_662 = tpu.vector_load %arg7[%swap3A_660, %swap3A_661] {strides = array<i32>} : memref<64x512xf32, #tpu.memory_space<vmem>>, vector<16xf32>,
      tpu.vector_store %arg7[%swap3A_660, %swap3A_661], %gather3A_596 {strides = array<i32>} : memref<64x512xf32, #tpu.memory_space<vmem>>, vector<16xf32>,
      %mul3A_663 = arith.constant 16 : i32
      %mul3A_664 = arith.muli %scan3A_54, %mul3A_663 : i32
      %swap3A_665 = arith.constant 58 : i32
      %swap3A_666 = arith.index_cast %swap3A_665 : i32 to index
      %swap3A_667 = arith.index_cast %mul3A_664 : i32 to index
      %swap3A_668 = tpu.vector_load %arg7[%swap3A_666, %swap3A_667] {strides = array<i32>} : memref<64x512xf32, #tpu.memory_space<vmem>>, vector<16xf32>,
      tpu.vector_store %arg7[%swap3A_666, %swap3A_667], %gather3A_606 {strides = array<i32>} : memref<64x512xf32, #tpu.memory_space<vmem>>, vector<16xf32>,
      %mul3A_669 = arith.constant 16 : i32
      %mul3A_670 = arith.muli %scan3A_54, %mul3A_669 : i32
      %swap3A_671 = arith.constant 59 : i32
      %swap3A_672 = arith.index_cast %swap3A_671 : i32 to index
      %swap3A_673 = arith.index_cast %mul3A_670 : i32 to index
      %swap3A_674 = tpu.vector_load %arg7[%swap3A_672, %swap3A_673] {strides = array<i32>} : memref<64x512xf32, #tpu.memory_space<vmem>>, vector<16xf32>,
      tpu.vector_store %arg7[%swap3A_672, %swap3A_673], %gather3A_616 {strides = array<i32>} : memref<64x512xf32, #tpu.memory_space<vmem>>, vector<16xf32>,
      %mul3A_675 = arith.constant 16 : i32
      %mul3A_676 = arith.muli %scan3A_54, %mul3A_675 : i32
      %swap3A_677 = arith.constant 60 : i32
      %swap3A_678 = arith.index_cast %swap3A_677 : i32 to index
      %swap3A_679 = arith.index_cast %mul3A_676 : i32 to index
      %swap3A_680 = tpu.vector_load %arg7[%swap3A_678, %swap3A_679] {strides = array<i32>} : memref<64x512xf32, #tpu.memory_space<vmem>>, vector<16xf32>,
      tpu.vector_store %arg7[%swap3A_678, %swap3A_679], %gather3A_626 {strides = array<i32>} : memref<64x512xf32, #tpu.memory_space<vmem>>, vector<16xf32>,
      %mul3A_681 = arith.constant 16 : i32
      %mul3A_682 = arith.muli %scan3A_54, %mul3A_681 : i32
      %swap3A_683 = arith.constant 61 : i32
      %swap3A_684 = arith.index_cast %swap3A_683 : i32 to index
      %swap3A_685 = arith.index_cast %mul3A_682 : i32 to index
      %swap3A_686 = tpu.vector_load %arg7[%swap3A_684, %swap3A_685] {strides = array<i32>} : memref<64x512xf32, #tpu.memory_space<vmem>>, vector<16xf32>,
      tpu.vector_store %arg7[%swap3A_684, %swap3A_685], %gather3A_636 {strides = array<i32>} : memref<64x512xf32, #tpu.memory_space<vmem>>, vector<16xf32>,
      %mul3A_687 = arith.constant 16 : i32
      %mul3A_688 = arith.muli %scan3A_54, %mul3A_687 : i32
      %swap3A_689 = arith.constant 62 : i32
      %swap3A_690 = arith.index_cast %swap3A_689 : i32 to index
      %swap3A_691 = arith.index_cast %mul3A_688 : i32 to index
      %swap3A_692 = tpu.vector_load %arg7[%swap3A_690, %swap3A_691] {strides = array<i32>} : memref<64x512xf32, #tpu.memory_space<vmem>>, vector<16xf32>,
      tpu.vector_store %arg7[%swap3A_690, %swap3A_691], %gather3A_646 {strides = array<i32>} : memref<64x512xf32, #tpu.memory_space<vmem>>, vector<16xf32>,
      %mul3A_693 = arith.constant 16 : i32
      %mul3A_694 = arith.muli %scan3A_54, %mul3A_693 : i32
      %swap3A_695 = arith.constant 63 : i32
      %swap3A_696 = arith.index_cast %swap3A_695 : i32 to index
      %swap3A_697 = arith.index_cast %mul3A_694 : i32 to index
      %swap3A_698 = tpu.vector_load %arg7[%swap3A_696, %swap3A_697] {strides = array<i32>} : memref<64x512xf32, #tpu.memory_space<vmem>>, vector<16xf32>,
      tpu.vector_store %arg7[%swap3A_696, %swap3A_697], %gather3A_656 {strides = array<i32>} : memref<64x512xf32, #tpu.memory_space<vmem>>, vector<16xf32>,
    }
    %scan3A_22 = arith.constant 16 : i32
    %add3A_23 = arith.constant 256 : i32
    %add3A_24 = arith.addi %mul3A_2, %add3A_23 : i32
    %dma_start3A_25 = arith.constant 0 : i32
    %dma_start3A_26 = arith.constant 256 : i32
    %dma_start3A_27 = tpu.memref_slice %arg7[%dma_start3A_25, %dma_start3A_26] : memref<64x512xf32, #tpu.memory_space<vmem>> -> memref<64x256xf32, #tpu.memory_space<vmem>>
    %dma_start3A_28 = arith.constant 0 : i32
    %dma_start3A_29 = tpu.memref_slice %arg4[%dma_start3A_28, %add3A_24] : memref<64x16384xf32, #tpu.memory_space<hbm>> -> memref<64x256xf32, #tpu.memory_space<hbm>>
    %dma_start3A_30 = arith.constant 0 : i32
    %dma_start3A_31 = tpu.memref_slice %arg4[%dma_start3A_30, %add3A_24] : memref<64x16384xf32, #tpu.memory_space<hbm>> -> memref<64x256xf32, #tpu.memory_space<hbm>>
    %dma_start3A_32 = arith.constant 0 : i32
    %dma_start3A_33 = arith.constant 256 : i32
    %dma_start3A_34 = tpu.memref_slice %arg7[%dma_start3A_32, %dma_start3A_33] : memref<64x512xf32, #tpu.memory_space<vmem>> -> memref<64x256xf32, #tpu.memory_space<vmem>>
    tpu.enqueue_dma source(%dma_start3A_34 : memref<64x256xf32, #tpu.memory_space<vmem>>) target(%dma_start3A_31 : memref<64x256xf32, #tpu.memory_space<hbm>>) target_semaphore(%arg8 : memref<!tpu.dma_semaphore, #tpu.memory_space<semaphore_mem>>)
    %dma_wait3A = arith.constant 0 : i32
    %dma_wait3A_35 = arith.constant 0 : i32
    %dma_wait3A_36 = tpu.memref_slice %arg7[%dma_wait3A, %dma_wait3A_35] : memref<64x512xf32, #tpu.memory_space<vmem>> -> memref<64x256xf32, #tpu.memory_space<vmem>>
    %dma_wait3A_37 = arith.constant 0 : i32
    %dma_wait3A_38 = tpu.memref_slice %arg4[%dma_wait3A_37, %mul3A_2] : memref<64x16384xf32, #tpu.memory_space<hbm>> -> memref<64x256xf32, #tpu.memory_space<hbm>>
    %dma_wait3A_39 = arith.constant 0 : i32
    %dma_wait3A_40 = tpu.memref_slice %arg4[%dma_wait3A_39, %mul3A_2] : memref<64x16384xf32, #tpu.memory_space<hbm>> -> memref<64x256xf32, #tpu.memory_space<hbm>>
    %dma_wait3A_41 = arith.constant 0 : i32
    %dma_wait3A_42 = arith.constant 0 : i32
    %dma_wait3A_43 = tpu.memref_slice %arg7[%dma_wait3A_41, %dma_wait3A_42] : memref<64x512xf32, #tpu.memory_space<vmem>> -> memref<64x256xf32, #tpu.memory_space<vmem>>
    tpu.wait_dma2 semaphore(%arg8 : memref<!tpu.dma_semaphore, #tpu.memory_space<semaphore_mem>>) src(%dma_wait3A_43 : memref<64x256xf32, #tpu.memory_space<vmem>>) dst(%dma_wait3A_40 : memref<64x256xf32, #tpu.memory_space<hbm>>)
    %dma_wait3A_44 = arith.constant 0 : i32
    %dma_wait3A_45 = arith.constant 256 : i32
    %dma_wait3A_46 = tpu.memref_slice %arg7[%dma_wait3A_44, %dma_wait3A_45] : memref<64x512xf32, #tpu.memory_space<vmem>> -> memref<64x256xf32, #tpu.memory_space<vmem>>
    %dma_wait3A_47 = arith.constant 0 : i32
    %dma_wait3A_48 = tpu.memref_slice %arg4[%dma_wait3A_47, %add3A_24] : memref<64x16384xf32, #tpu.memory_space<hbm>> -> memref<64x256xf32, #tpu.memory_space<hbm>>
    %dma_wait3A_49 = arith.constant 0 : i32
    %dma_wait3A_50 = tpu.memref_slice %arg4[%dma_wait3A_49, %add3A_24] : memref<64x16384xf32, #tpu.memory_space<hbm>> -> memref<64x256xf32, #tpu.memory_space<hbm>>
    %dma_wait3A_51 = arith.constant 0 : i32
    %dma_wait3A_52 = arith.constant 256 : i32
    %dma_wait3A_53 = tpu.memref_slice %arg7[%dma_wait3A_51, %dma_wait3A_52] : memref<64x512xf32, #tpu.memory_space<vmem>> -> memref<64x256xf32, #tpu.memory_space<vmem>>
    tpu.wait_dma2 semaphore(%arg8 : memref<!tpu.dma_semaphore, #tpu.memory_space<semaphore_mem>>) src(%dma_wait3A_53 : memref<64x256xf32, #tpu.memory_space<vmem>>) dst(%dma_wait3A_50 : memref<64x256xf32, #tpu.memory_space<hbm>>)
    return
  }
}

</mosaic_0001>

<sc_bundles>
// kernel: _embed_lookup_t.3.cloned.1.call-start
scs
__scs_entry_jumppad:
0x0: {  	(pc) =	sbr.rel $0x88, $3  }
0x1: {  	(tag) =	ssettag $0x0;
	lr =	simm.s32 $0x1  }
0x2: {  	[smem:$0x3F9F] =	sst lr;
	_ =	strace $0xD0000000  }
0x3: {  	_ = 	snop  }
0x4: {  	_ = 	snop  }
0x5: {  	_ = 	snop  }
0x6: {  	_ = 	snop  }
0x7: {  	_ = 	snop  }
__scs_overlays_trampoline_lowered:
0x8: {  	[smem:$0x3FAE] =	sst s0  }
0x9: {  	[smem:$0x3FAF] =	sst s1  }
0xa: {  	[smem:$0x3FB0] =	sst s2  }
0xb: {  	[smem:$0x3FB1] =	sst s3  }
0xc: {  	[smem:$0x3FB2] =	sst s4  }
0xd: {  	[smem:$0x3FB3] =	sst s5  }
0xe: {  	[smem:$0x3FB4] =	sst s6  }
0xf: {  	[smem:$0x3FB5] =	sst s7  }
0x10: {  	[smem:$0x3FB6] =	sst s8  }
0x11: {  	[smem:$0x3FB7] =	sst s9;
	s0 =	simm.s32 @!p0 $0x0  }
0x12: {  	s1 =	sld [smem:$0x3F9D];
	s0 =	simm.s32 @p0 $0x1  }
0x13: {  	[smem:$0x3FB8] =	sst s0;
	s0 =	simm.s32 @!p1 $0x0  }
0x14: {  	s2 =	sld [smem:$0x3F9C];
	s0 =	simm.s32 @p1 $0x1  }
0x15: {  	[smem:$0x3FB9] =	sst s0;
	s0 =	simm.s32 @!p2 $0x0  }
0x16: {  	s3 =	sld [smem:$0x3FDB];
	s0 =	simm.s32 @p2 $0x1  }
0x17: {  	s4 =	simm.s32 $0x1BF5;
	[smem:$0x3FBB] =	sst s0  }
0x18: {  	s0 =	sld [smem:$0x3F9E];
	_ =	swait.ge [sflag:s4], $0x0  }
0x19: {  	s7 =	sld [smem:$0x3F9F]  }
0x1a: {  	s8 =	sadd.s32 $0xFFFFE003, lr  }
0x1b: {  	s9 =	sadd.s32 $0xFFFFFEF7, lr;
	s5 =	simm.s32 $0xFFFFFFFF;
	p2 =	slt.u32 s8, $0xFFFFF086  }
0x1c: {  	p1 =	slt.u32 s9, $0xF7A;
	s5 =	simm.s32 @!p2 $0x0  }
0x1d: {  	s5 =	simm.s32 @p1 $0x1;
	p0 =	seq.s32 s7, s2  }
0x1e: {  	s7 =	smul.u32 @!p0 $0xF7A, s2;
	p2 =	seq.s32 @!p0 s5, $0x0  }
0x1f: {  	s9 =	smul.u32 $0xF7A, s1;
	s8 =	simm.s32 @!p0 $0x1BF5;
	p2 =	por !p2, p0  }
0x20: {  	[sflag:s8] =	ssyncset.s32 @!p0 $0xFFFFF086;
	s6 =	sadd.s32 @!p0 s3, s7;
	s7 =	simm.s32 @!p0 $0x108  }
0x21: {  	s3 =	sadd.s32 s3, s9;
	s6 =	sadd.s32 @!p0 $0x88, s6;
	s7 =	simm.s32 @p2 $0x1082  }
0x22: {  	[simem:s7], [sflag:s8] =	dma.local @!p0 [hbm:s6], $0xF7A  }
0x23: {  	s9 =	sor.u32 $0xD0000000, s2;
	s6 =	simm.s32 $0x108;
	_ =	swait.ge @!p0 [sflag:s8], $0x0  }
0x24: {  	s3 =	sadd.s32 $0x88, s3;
	s6 =	simm.s32 @!p1 $0x1082;
	[sflag:s4] =	ssyncset.s32 $0xFFFFF086  }
0x25: {  	[simem:s6], [sflag:s4] =	dma.local [hbm:s3], $0xF7A  }
0x26: {  	[smem:$0x3F9F] =	sst s1;
	(tag) =	ssettag s2;
	_ =	strace s9  }
0x27: {  	s1 =	sld [smem:$0x3FAF]  }
0x28: {  	s2 =	sld [smem:$0x3FB0]  }
0x29: {  	s4 =	sld [smem:$0x3FB2]  }
0x2a: {  	p0 =	seq.s32 s5, $0x0;
	s5 =	sld [smem:$0x3FB3]  }
0x2b: {  	s6 =	sld [smem:$0x3FB4]  }
0x2c: {  	s7 =	sld [smem:$0x3FB5]  }
0x2d: {  	s3 =	simm.s32 $0x108;
	s8 =	sld [smem:$0x3FB6]  }
0x2e: {  	s3 =	simm.s32 @!p0 $0x1082;
	s9 =	sld [smem:$0x3FB7]  }
0x2f: {  	lr =	sadd.s32 s0, s3;
	s0 =	sld [smem:$0x3FAE]  }
0x30: {  	s3 =	sld [smem:$0x3FB1]  }
0x31: {  	[smem:$0x3FBA] =	sst s10  }
0x32: {  	s10 =	sld [smem:$0x3FB8];
	_ =	sdelay $0x3  }
0x33: {  	p0 =	seq.s32 s10, $0x1;
	s10 =	sld [smem:$0x3FBA];
	_ =	sdelay $0x3  }
0x34: {  	[smem:$0x3FBA] =	sst s10  }
0x35: {  	s10 =	sld [smem:$0x3FB9];
	_ =	sdelay $0x3  }
0x36: {  	p1 =	seq.s32 s10, $0x1;
	s10 =	sld [smem:$0x3FBA];
	_ =	sdelay $0x3  }
0x37: {  	[smem:$0x3FBA] =	sst s10  }
0x38: {  	s10 =	sld [smem:$0x3FBB]  }
0x39: {  	_ = 	snop;
	(pc) =	sbr.ind lr, $3  }
0x3a: {  	_ = 	snop  }
0x3b: {  	_ = 	snop  }
0x3c: {  	p2 =	seq.s32 s10, $0x1;
	s10 =	sld [smem:$0x3FBA]  }
0x3d: {  	_ =	shalt  }
0x3e: {  	_ =	shalt  }
0x3f: {  	_ =	shalt  }
0x40: {  	_ =	shalt  }
0x41: {  	_ =	shalt  }
0x42: {  	_ =	shalt  }
0x43: {  	_ =	shalt  }
0x44: {  	_ =	shalt  }
0x45: {  	_ =	shalt  }
0x46: {  	_ =	shalt  }
0x47: {  	_ =	shalt  }
0x48: {  	_ =	shalt  }
0x49: {  	_ =	shalt  }
0x4a: {  	_ =	shalt  }
0x4b: {  	_ =	shalt  }
0x4c: {  	_ =	shalt  }
0x4d: {  	_ =	shalt  }
0x4e: {  	_ =	shalt  }
0x4f: {  	_ =	shalt  }
0x50: {  	_ =	shalt  }
0x51: {  	_ =	shalt  }
0x52: {  	_ =	shalt  }
0x53: {  	_ =	shalt  }
0x54: {  	_ =	shalt  }
0x55: {  	_ =	shalt  }
0x56: {  	_ =	shalt  }
0x57: {  	_ =	shalt  }
0x58: {  	_ =	shalt  }
0x59: {  	_ =	shalt  }
0x5a: {  	_ =	shalt  }
0x5b: {  	_ =	shalt  }
0x5c: {  	_ =	shalt  }
0x5d: {  	_ =	shalt  }
0x5e: {  	_ =	shalt  }
0x5f: {  	_ =	shalt  }
0x60: {  	_ =	shalt  }
0x61: {  	_ =	shalt  }
0x62: {  	_ =	shalt  }
0x63: {  	_ =	shalt  }
0x64: {  	_ =	shalt  }
0x65: {  	_ =	shalt  }
0x66: {  	_ =	shalt  }
0x67: {  	_ =	shalt  }
0x68: {  	_ =	shalt  }
0x69: {  	_ =	shalt  }
0x6a: {  	_ =	shalt  }
0x6b: {  	_ =	shalt  }
0x6c: {  	_ =	shalt  }
0x6d: {  	_ =	shalt  }
0x6e: {  	_ =	shalt  }
0x6f: {  	_ =	shalt  }
0x70: {  	_ =	shalt  }
0x71: {  	_ =	shalt  }
0x72: {  	_ =	shalt  }
0x73: {  	_ =	shalt  }
0x74: {  	_ =	shalt  }
0x75: {  	_ =	shalt  }
0x76: {  	_ =	shalt  }
0x77: {  	_ =	shalt  }
0x78: {  	_ =	shalt  }
0x79: {  	_ =	shalt  }
0x7a: {  	_ =	shalt  }
0x7b: {  	_ =	shalt  }
0x7c: {  	_ =	shalt  }
0x7d: {  	_ =	shalt  }
0x7e: {  	_ =	shalt  }
0x7f: {  	_ =	shalt  }
0x80: {  	_ =	shalt  }
0x81: {  	_ =	shalt  }
0x82: {  	_ =	shalt  }
0x83: {  	_ =	shalt  }
0x84: {  	_ =	shalt  }
0x85: {  	_ =	shalt  }
0x86: {  	_ =	shalt  }
0x87: {  	_ =	shalt  }
.Lfunc_end0:
.L_simem_size_0:
called_computation_lowered:
.L_overlay_start_0:
0x88: {  	s2 =	sld [smem:$0x3FD9]  }
0x89: {  	s3 =	sld [smem:$0x3FFE];
	_ =	sdelay $0x1  }
0x8a: {  	s1 =	srdreg.scid  }
0x8b: {  	s0 =	sand.u32 $0x1, s1  }
0x8c: {  	s18 =	sshll.u32 s0, $0xA;
	s2 =	sadd.s32 s3, s2  }
0x8d: {  	s2 =	sadd.s32 s2, s18  }
0x8e: {  	[smem:$0x3FC6] =	sst s2  }
0x8f: {  	_ = 	snop  }
0x90: {  	s2 =	sld [smem:$0x3FC9]  }
0x91: {  	s19 =	sld [smem:$0x3FC8]  }
0x92: {  	s4 =	sld [smem:$0x3FD0];
	(tm) =	ssettm $0x1  }
0x93: {  	s5 =	sld [smem:$0x3FFB];
	_ =	sdelay $0x3  }
0x94: {  	_ =	strace s5  }
0x95: {  	s5 =	sld [smem:$0x3FFC];
	_ =	sdelay $0x3  }
0x96: {  	_ =	strace s5  }
0x97: {  	s5 =	sld [smem:$0x3FFD];
	_ =	sdelay $0x3  }
0x98: {  	_ =	strace s5  }
0x99: {  	_ =	strace $0x8FFFFFFF  }
0x9a: {  	s20 =	sld [smem:$0x3FDB];
	_ =	sdelay $0x1  }
0x9b: {  	s6 =	simm.s32 $_scs_section_size  }
0x9c: {  	s7 =	simm.s32 $_size__tile_overlayer_lowered;
	s8 =	simm.s32 $_tile_overlayer_lowered  }
0x9d: {  	s23 =	simm.s32 $0x1BFF;
	s22 =	sshll.u32 s8, $0x1;
	s5 =	sadd.s32 s6, s20  }
0x9e: {  	s9 =	simm.s32 $0x0;
	s21 =	sshll.u32 s7, $0x1;
	s7 =	sadd.s32 s22, s5  }
0x9f: {  	[timem:s9], [sflag:s23] =	dma.local [hbm:s7], s21  }
0xa0: {  	_ =	swait.ge [sflag:s23], s21  }
0xa1: {  	s6 =	ssub.s32 $0x0, s21;
	[sflag:s23] =	ssyncset.done $0x0  }
0xa2: {  	[sflag:s23] =	ssyncadd.s32 s6;
	_ =	sdelay $0x1  }
0xa3: {  	s24 =	simm.s32 $0x1B8B  }
0xa4: {  	_ =	swait.ge [sflag:s24], $0x1  }
0xa5: {  	[sflag:s24] =	ssyncset.done $0x0  }
0xa6: {  	s25 =	simm.s32 $0x1B8E;
	[sflag:s24] =	ssyncadd.s32 $0xFFFFFFFF  }
0xa7: {  	s26 =	simm.s32 $execute0_lowered;
	[smem:$0x3FD2] =	sst s25  }
0xa8: {  	s6 =	sshll.u32 s26, $0x1;
	_ =	strace $0x80000046;
	[dreg:$0x1] =	wrdreg $0xFFFFFFFF  }
0xa9: {  	s28 =	simm.s32 $_size_execute0_lowered;
	s5 =	sadd.s32 s5, s6;
	[dreg:$0x0] =	wrdreg $0x0  }
0xaa: {  	s6 =	sshll.u32 s28, $0x1;
	[dreg:$0x2] =	wrdreg s5  }
0xab: {  	[dreg:$0x3] =	wrdreg s6  }
0xac: {  	[dreg:$0x4] =	wrdreg $0xC0  }
0xad: {  	_ =	task [dreg:s9], $0x5FFFF  }
0xae: {  	[dreg:$0x1] =	wrdreg $0xFFFFFFFF  }
0xaf: {  	[dreg:$0x0] =	wrdreg $0x60  }
0xb0: {  	[dreg:$0x2] =	wrdreg s19  }
0xb1: {  	[dreg:$0x3] =	wrdreg s2  }
0xb2: {  	[dreg:$0x4] =	wrdreg s4  }
0xb3: {  	[dreg:$0x5] =	wrdreg $0x9  }
0xb4: {  	_ =	task.clear_ibuf [dreg:s9], $0x6FFFF;
	_ =	strace $0x90000046  }
0xb5: {  	s29 =	simm.s32 $0x9;
	_ =	strace $0x80000048  }
0xb6: {  	_ =	swait.ge [sflag:s29], $0x1  }
0xb7: {  	[sflag:s29] =	ssyncadd.s32 $0xFFFFFFFF  }
0xb8: {  	_ =	strace $0x90000048  }
0xb9: {  	_ =	sfence  }
0xba: {  	s30 =	sld [smem:$0x0];
	_ =	sdelay $0x2  }
0xbb: {  	s31 =	sshll.u32 s1, $0xD;
	s1 =	sshrl.u32 s1, $0x2  }
0xbc: {  	s3 =	sand.u32 $0x4000, s31;
	s1 =	sadd.s32 s1, s30  }
0xbd: {  	s0 =	sor.u32 s3, s0;
	s1 =	sshll.u32 s1, $0x11  }
0xbe: {  	s0 =	sor.u32 s1, s0  }
0xbf: {  	s0 =	sadd.s32 $0x8F2B, s0  }
0xc0: {  	[sflag:s0] =	ssyncadd.remote.s32 $0x1  }
0xc1: {  	_ =	sfence.sel $0xFFFF  }
0xc2: {  	[dreg:$0x0] =	wrdreg $0xFFFFFFFF;
	(pc) =	sbr.abs _section_cstart, $3  }
0xc3: {  	[dreg:$0x1] =	wrdreg $0xFFFFFFFF  }
0xc4: {  	_ =	task.clear_ibuf [dreg:s9], $0x2FFFF;
	_ =	strace $0x9FFFFFFF  }
0xc5: {  	(tm) =	ssettm $0x7FFFFFFF  }
tec
execute0_lowered:
.L_overlay_start_1:
0x0: {  	(tag) =	ssettag $0x1  }
0x1: {  	s0 =	rddreg [dreg:$0x1]  }
0x2: {  	s1 =	rddreg [dreg:$0x2];
	s3 =	simm.s32 $0x0;
	s2 =	srdreg.scid  }
0x3: {  	s5 =	stileid.u32;
	s8 =	simm.s32 $0x2;
	s15 =	simm.s32 $0x4B80  }
0x4: {  	s17 =	simm.s32 $0x5B80;
	s19 =	simm.s32 $0x6B80;
	s20 =	simm.s32 $0x7B80  }
0x5: {  	s21 =	simm.s32 $0x8B80;
	s22 =	simm.s32 $0x2380;
	s23 =	simm.s32 $0x3380  }
0x6: {  	s24 =	simm.s32 $0x4380;
	s25 =	simm.s32 $0x5380;
	s26 =	simm.s32 $0x6380  }
0x7: {  	s28 =	simm.s32 $0x7380;
	s29 =	simm.s32 $0x8380;
	s30 =	simm.s32 $0x9380  }
0x8: {  	s31 =	simm.s32 $0x1;
	[smem:$0x7FF] =	sst s3;
	s2 =	sand.u32 $0x1, s2  }
0x9: {  	s5 =	sshll.u32 s5, $0xA;
	s4 =	ssub.s32 $0x2, s2;
	s2 =	sshll.u32 s2, $0x9  }
0xa: {  	_ =	strace $0x80000047;
	s6 =	sshrl.u32 s4, $0x1;
	s2 =	sor.u32 s2, s5  }
0xb: {  	s7 =	ssub.s32 s4, s6;
	s5 =	sshrl.u32 s2, $0x3;
	s4 =	sadd.s32 s1, s2  }
0xc: {  	s5 =	sadd.s32 s0, s5;
	s6 =	sadd.s32 $0x100, s4;
	s7 =	smax.u32 s7, $0x1  }
0xd: {  	s10 =	sadd.s32 $0x4000, s4;
	s12 =	sadd.s32 $0x8000, s4;
	s14 =	sadd.s32 $0xC000, s4  }
0xe: {  	s16 =	sadd.s32 $0x10000, s4;
	s18 =	sadd.s32 $0x14000, s4;
	s0 =	simm.s32 $0x0  }
.LBB2_1:
0xf: {  	s1 =	rddreg [dreg:$0x0]  }
0x10: {  	[tilespmem:s3], [sflag:$0x2] =	stream.linear.gather [hbm4b:s1+s3], $0x1980, $0x38;
	[tilespmem:$0x9B80] =	vst v63  }
0x11: {  	_ =	swait.ge [sflag:s8], $0x1980  }
0x12: {  	[sflag:s8] =	ssyncset.done $0x0  }
0x13: {  	s2 =	simm.s32 $0x1980;
	[sflag:s8] =	ssyncadd.s32 $0xFFFFE680  }
0x14: {  	[tilespmem:s2], [sflag:$0x2] =	stream.linear.gather [hbm4b:s5+s3], $0x200, $0x38;
	[tilespmem:$0x9B80] =	vst v63  }
0x15: {  	_ =	swait.ge [sflag:s8], $0x200  }
0x16: {  	[sflag:s8] =	ssyncset.done $0x0  }
0x17: {  	s9 =	simm.s32 $0x0;
	s1 =	simm.s32 $0x0;
	[sflag:s8] =	ssyncadd.s32 $0xFFFFFE00  }
.LBB2_2:
0x18: {  	v0 =	vld [tilespmem:s2+$0x0];
	_ =	sdelay $0x4  }
0x19: {  	v0 =	vmul.u32 $0x41, v0;
	_ =	sdelay $0x1  }
0x1a: {  	v1 =	vadd.s32 $0x1, v0  }
0x1b: {  	v2 =	vadd.s32 $0x2, v0  }
0x1c: {  	v3 =	vadd.s32 $0x3, v0  }
0x1d: {  	v4 =	vadd.s32 $0x4, v0  }
0x1e: {  	v6 =	vadd.s32 $0x5, v0;
	v5 =	vld.idx.msk [tilespmem:v0+s3+$0x0], $0xffff  }
0x1f: {  	v7 =	vadd.s32 $0x6, v0;
	v1 =	vld.idx.msk [tilespmem:v1+s3+$0x0], $0xffff  }
0x20: {  	v8 =	vadd.s32 $0x7, v0;
	v2 =	vld.idx.msk [tilespmem:v2+s3+$0x0], $0xffff  }
0x21: {  	v9 =	vadd.s32 $0x8, v0;
	v3 =	vld.idx.msk [tilespmem:v3+s3+$0x0], $0xffff  }
0x22: {  	s11 =	sand.u32 $0x70, s9;
	s13 =	sand.u32 $0x400, s1;
	v62 =	vadd.s32 $0x9, v0;
	v4 =	vld.idx.msk [tilespmem:v4+s3+$0x0], $0xffff  }
0x23: {  	s11 =	sor.u32 s11, s13;
	v63 =	vadd.s32 $0xA, v0;
	v6 =	vld.idx.msk [tilespmem:v6+s3+$0x0], $0xffff  }
0x24: {  	v12 =	vadd.s32 $0xB, v0;
	v7 =	vld.idx.msk [tilespmem:v7+s3+$0x0], $0xffff;
	[tilespmem:s11+$0x1B80] =	vst v5  }
0x25: {  	v13 =	vadd.s32 $0xC, v0;
	v8 =	vld.idx.msk [tilespmem:v8+s3+$0x0], $0xffff;
	[tilespmem:s11+$0x1C00] =	vst v1  }
0x26: {  	v14 =	vadd.s32 $0xD, v0;
	v9 =	vld.idx.msk [tilespmem:v9+s3+$0x0], $0xffff;
	[tilespmem:s11+$0x1C80] =	vst v2  }
0x27: {  	v15 =	vadd.s32 $0xE, v0;
	v5 =	vld.idx.msk [tilespmem:v62+s3+$0x0], $0xffff;
	[tilespmem:s11+$0x1D00] =	vst v3  }
0x28: {  	v16 =	vadd.s32 $0xF, v0;
	v1 =	vld.idx.msk [tilespmem:v63+s3+$0x0], $0xffff;
	[tilespmem:s11+$0x1D80] =	vst v4  }
0x29: {  	s13 =	sor.u32 s1, s9;
	v17 =	vadd.s32 $0x10, v0;
	v2 =	vld.idx.msk [tilespmem:v12+s3+$0x0], $0xffff;
	[tilespmem:s11+$0x1E00] =	vst v6  }
0x2a: {  	s13 =	sor.u32 $0x380, s13;
	v18 =	vadd.s32 $0x11, v0;
	v3 =	vld.idx.msk [tilespmem:v13+s3+$0x0], $0xffff;
	[tilespmem:s11+$0x1E80] =	vst v7  }
0x2b: {  	v19 =	vadd.s32 $0x12, v0;
	v4 =	vld.idx.msk [tilespmem:v14+s3+$0x0], $0xffff;
	[tilespmem:s13+$0x1B80] =	vst v8  }
0x2c: {  	v20 =	vadd.s32 $0x13, v0;
	v6 =	vld.idx.msk [tilespmem:v15+s3+$0x0], $0xffff;
	[tilespmem:s11+$0x2B80] =	vst v9  }
0x2d: {  	v21 =	vadd.s32 $0x14, v0;
	v7 =	vld.idx.msk [tilespmem:v16+s3+$0x0], $0xffff;
	[tilespmem:s11+$0x2C00] =	vst v5  }
0x2e: {  	v22 =	vadd.s32 $0x15, v0;
	v8 =	vld.idx.msk [tilespmem:v17+s3+$0x0], $0xffff;
	[tilespmem:s11+$0x2C80] =	vst v1  }
0x2f: {  	v23 =	vadd.s32 $0x16, v0;
	v9 =	vld.idx.msk [tilespmem:v18+s3+$0x0], $0xffff;
	[tilespmem:s11+$0x2D00] =	vst v2  }
0x30: {  	v24 =	vadd.s32 $0x17, v0;
	v5 =	vld.idx.msk [tilespmem:v19+s3+$0x0], $0xffff;
	[tilespmem:s11+$0x2D80] =	vst v3  }
0x31: {  	v25 =	vadd.s32 $0x18, v0;
	v1 =	vld.idx.msk [tilespmem:v20+s3+$0x0], $0xffff;
	[tilespmem:s11+$0x2E00] =	vst v4  }
0x32: {  	v26 =	vadd.s32 $0x19, v0;
	v2 =	vld.idx.msk [tilespmem:v21+s3+$0x0], $0xffff;
	[tilespmem:s11+$0x2E80] =	vst v6  }
0x33: {  	v27 =	vadd.s32 $0x1A, v0;
	v3 =	vld.idx.msk [tilespmem:v22+s3+$0x0], $0xffff;
	[tilespmem:s11+$0x2F00] =	vst v7  }
0x34: {  	v28 =	vadd.s32 $0x1B, v0;
	v4 =	vld.idx.msk [tilespmem:v23+s3+$0x0], $0xffff;
	[tilespmem:s11+$0x3B80] =	vst v8  }
0x35: {  	v29 =	vadd.s32 $0x1C, v0;
	v6 =	vld.idx.msk [tilespmem:v24+s3+$0x0], $0xffff;
	[tilespmem:s11+$0x3C00] =	vst v9  }
0x36: {  	v30 =	vadd.s32 $0x1D, v0;
	v7 =	vld.idx.msk [tilespmem:v25+s3+$0x0], $0xffff;
	[tilespmem:s11+$0x3C80] =	vst v5  }
0x37: {  	v31 =	vadd.s32 $0x1E, v0;
	v8 =	vld.idx.msk [tilespmem:v26+s3+$0x0], $0xffff;
	[tilespmem:s11+$0x3D00] =	vst v1  }
0x38: {  	v32 =	vadd.s32 $0x1F, v0;
	v9 =	vld.idx.msk [tilespmem:v27+s3+$0x0], $0xffff;
	[tilespmem:s11+$0x3D80] =	vst v2  }
0x39: {  	v33 =	vadd.s32 $0x20, v0;
	v5 =	vld.idx.msk [tilespmem:v28+s3+$0x0], $0xffff;
	[tilespmem:s11+$0x3E00] =	vst v3  }
0x3a: {  	v34 =	vadd.s32 $0x21, v0;
	v1 =	vld.idx.msk [tilespmem:v29+s3+$0x0], $0xffff;
	[tilespmem:s11+$0x3E80] =	vst v4  }
0x3b: {  	v35 =	vadd.s32 $0x22, v0;
	v2 =	vld.idx.msk [tilespmem:v30+s3+$0x0], $0xffff;
	[tilespmem:s11+$0x3F00] =	vst v6  }
0x3c: {  	v36 =	vadd.s32 $0x23, v0;
	v3 =	vld.idx.msk [tilespmem:v31+s3+$0x0], $0xffff;
	[tilespmem:s11+$0x4B80] =	vst v7  }
0x3d: {  	v37 =	vadd.s32 $0x24, v0;
	v4 =	vld.idx.msk [tilespmem:v32+s3+$0x0], $0xffff;
	[tilespmem:s11+$0x4C00] =	vst v8  }
0x3e: {  	v38 =	vadd.s32 $0x25, v0;
	v6 =	vld.idx.msk [tilespmem:v33+s3+$0x0], $0xffff;
	[tilespmem:s11+$0x4C80] =	vst v9  }
0x3f: {  	v39 =	vadd.s32 $0x26, v0;
	v7 =	vld.idx.msk [tilespmem:v34+s3+$0x0], $0xffff;
	[tilespmem:s11+$0x4D00] =	vst v5  }
0x40: {  	v40 =	vadd.s32 $0x27, v0;
	v8 =	vld.idx.msk [tilespmem:v35+s3+$0x0], $0xffff;
	[tilespmem:s11+$0x4D80] =	vst v1  }
0x41: {  	v41 =	vadd.s32 $0x28, v0;
	v9 =	vld.idx.msk [tilespmem:v36+s3+$0x0], $0xffff;
	[tilespmem:s11+$0x4E00] =	vst v2  }
0x42: {  	v42 =	vadd.s32 $0x29, v0;
	v5 =	vld.idx.msk [tilespmem:v37+s3+$0x0], $0xffff;
	[tilespmem:s11+$0x4E80] =	vst v3  }
0x43: {  	v43 =	vadd.s32 $0x2A, v0;
	v1 =	vld.idx.msk [tilespmem:v38+s3+$0x0], $0xffff;
	[tilespmem:s11+$0x4F00] =	vst v4  }
0x44: {  	v44 =	vadd.s32 $0x2B, v0;
	v2 =	vld.idx.msk [tilespmem:v39+s3+$0x0], $0xffff;
	[tilespmem:s11+$0x5B80] =	vst v6  }
0x45: {  	v45 =	vadd.s32 $0x2C, v0;
	v3 =	vld.idx.msk [tilespmem:v40+s3+$0x0], $0xffff;
	[tilespmem:s11+$0x5C00] =	vst v7  }
0x46: {  	v46 =	vadd.s32 $0x2D, v0;
	v4 =	vld.idx.msk [tilespmem:v41+s3+$0x0], $0xffff;
	[tilespmem:s11+$0x5C80] =	vst v8  }
0x47: {  	v47 =	vadd.s32 $0x2E, v0;
	v6 =	vld.idx.msk [tilespmem:v42+s3+$0x0], $0xffff;
	[tilespmem:s11+$0x5D00] =	vst v9  }
0x48: {  	v48 =	vadd.s32 $0x2F, v0;
	v7 =	vld.idx.msk [tilespmem:v43+s3+$0x0], $0xffff;
	[tilespmem:s11+$0x5D80] =	vst v5  }
0x49: {  	v49 =	vadd.s32 $0x30, v0;
	v8 =	vld.idx.msk [tilespmem:v44+s3+$0x0], $0xffff;
	[tilespmem:s11+$0x5E00] =	vst v1  }
0x4a: {  	v50 =	vadd.s32 $0x31, v0;
	v9 =	vld.idx.msk [tilespmem:v45+s3+$0x0], $0xffff;
	[tilespmem:s11+$0x5E80] =	vst v2  }
0x4b: {  	v51 =	vadd.s32 $0x32, v0;
	v5 =	vld.idx.msk [tilespmem:v46+s3+$0x0], $0xffff;
	[tilespmem:s11+$0x5F00] =	vst v3  }
0x4c: {  	v52 =	vadd.s32 $0x33, v0;
	v1 =	vld.idx.msk [tilespmem:v47+s3+$0x0], $0xffff;
	[tilespmem:s11+$0x6B80] =	vst v4  }
0x4d: {  	v53 =	vadd.s32 $0x34, v0;
	v2 =	vld.idx.msk [tilespmem:v48+s3+$0x0], $0xffff;
	[tilespmem:s11+$0x6C00] =	vst v6  }
0x4e: {  	v54 =	vadd.s32 $0x35, v0;
	v3 =	vld.idx.msk [tilespmem:v49+s3+$0x0], $0xffff;
	[tilespmem:s11+$0x6C80] =	vst v7  }
0x4f: {  	v55 =	vadd.s32 $0x36, v0;
	v4 =	vld.idx.msk [tilespmem:v50+s3+$0x0], $0xffff;
	[tilespmem:s11+$0x6D00] =	vst v8  }
0x50: {  	v56 =	vadd.s32 $0x37, v0;
	v6 =	vld.idx.msk [tilespmem:v51+s3+$0x0], $0xffff;
	[tilespmem:s11+$0x6D80] =	vst v9  }
0x51: {  	v57 =	vadd.s32 $0x38, v0;
	v7 =	vld.idx.msk [tilespmem:v52+s3+$0x0], $0xffff;
	[tilespmem:s11+$0x6E00] =	vst v5  }
0x52: {  	v58 =	vadd.s32 $0x39, v0;
	v8 =	vld.idx.msk [tilespmem:v53+s3+$0x0], $0xffff;
	[tilespmem:s11+$0x6E80] =	vst v1  }
0x53: {  	v59 =	vadd.s32 $0x3A, v0;
	v9 =	vld.idx.msk [tilespmem:v54+s3+$0x0], $0xffff;
	[tilespmem:s11+$0x6F00] =	vst v2  }
0x54: {  	v60 =	vadd.s32 $0x3B, v0;
	v5 =	vld.idx.msk [tilespmem:v55+s3+$0x0], $0xffff;
	[tilespmem:s11+$0x7B80] =	vst v3  }
0x55: {  	v61 =	vadd.s32 $0x3C, v0;
	v1 =	vld.idx.msk [tilespmem:v56+s3+$0x0], $0xffff;
	[tilespmem:s11+$0x7C00] =	vst v4  }
0x56: {  	v62 =	vadd.s32 $0x3D, v0;
	v2 =	vld.idx.msk [tilespmem:v57+s3+$0x0], $0xffff;
	[tilespmem:s11+$0x7C80] =	vst v6  }
0x57: {  	v63 =	vadd.s32 $0x3E, v0;
	v3 =	vld.idx.msk [tilespmem:v58+s3+$0x0], $0xffff;
	[tilespmem:s11+$0x7D00] =	vst v7  }
0x58: {  	v0 =	vadd.s32 $0x3F, v0;
	v4 =	vld.idx.msk [tilespmem:v59+s3+$0x0], $0xffff;
	[tilespmem:s11+$0x7D80] =	vst v8  }
0x59: {  	v6 =	vld.idx.msk [tilespmem:v60+s3+$0x0], $0xffff;
	[tilespmem:s11+$0x7E00] =	vst v9  }
0x5a: {  	v7 =	vld.idx.msk [tilespmem:v61+s3+$0x0], $0xffff;
	[tilespmem:s11+$0x7E80] =	vst v5  }
0x5b: {  	v5 =	vld.idx.msk [tilespmem:v62+s3+$0x0], $0xffff;
	[tilespmem:s11+$0x7F00] =	vst v1  }
0x5c: {  	v1 =	vld.idx.msk [tilespmem:v63+s3+$0x0], $0xffff;
	[tilespmem:s11+$0x8B80] =	vst v2  }
0x5d: {  	v0 =	vld.idx.msk [tilespmem:v0+s3+$0x0], $0xffff;
	[tilespmem:s11+$0x8C00] =	vst v3  }
0x5e: {  	p0 =	sne.s32 s9, $0xF0;
	[tilespmem:s11+$0x8C80] =	vst v4  }
.Ltmp0:
0x5f: {  	[tilespmem:s11+$0x8D00] =	vst v6;
	(pc) =	sbr.rel @p0 .LBB2_2-.Ltmp0, $4  }
0x60: {  	[tilespmem:s11+$0x8D80] =	vst v7  }
0x61: {  	[tilespmem:s11+$0x8E00] =	vst v5  }
0x62: {  	[tilespmem:s11+$0x8E80] =	vst v1  }
0x63: {  	s2 =	sadd.s32 $0x10, s2;
	s1 =	sadd.s32 $0x80, s1;
	s9 =	sadd.s32 $0x10, s9;
	[tilespmem:s11+$0x8F00] =	vst v0  }
0x64: {  	s1 =	simm.s32 $0x1B80  }
0x65: {  	[hbm4b:s4+s3] =	stream.linear.scatter [tilespmem:s1], [sflag:$0x1], $0x800, $0x38;
	[tilespmem:$0x9B80] =	vst v63  }
0x66: {  	s2 =	simm.s32 $0x2B80  }
0x67: {  	[hbm4b:s10+s3] =	stream.linear.scatter [tilespmem:s2], [sflag:$0x1], $0x800, $0x38;
	[tilespmem:$0x9B80] =	vst v63  }
0x68: {  	s9 =	simm.s32 $0x3B80  }
0x69: {  	[hbm4b:s12+s3] =	stream.linear.scatter [tilespmem:s9], [sflag:$0x1], $0x800, $0x38;
	[tilespmem:$0x9B80] =	vst v63  }
0x6a: {  	_ = 	snop  }
0x6b: {  	[hbm4b:s14+s3] =	stream.linear.scatter [tilespmem:s15], [sflag:$0x1], $0x800, $0x38;
	[tilespmem:$0x9B80] =	vst v63  }
0x6c: {  	_ = 	snop  }
0x6d: {  	[hbm4b:s16+s3] =	stream.linear.scatter [tilespmem:s17], [sflag:$0x1], $0x800, $0x38;
	[tilespmem:$0x9B80] =	vst v63  }
0x6e: {  	_ = 	snop  }
0x6f: {  	[hbm4b:s18+s3] =	stream.linear.scatter [tilespmem:s19], [sflag:$0x1], $0x800, $0x38;
	[tilespmem:$0x9B80] =	vst v63  }
0x70: {  	s11 =	sadd.s32 $0x18000, s4;
	s13 =	sadd.s32 $0x1C000, s4  }
0x71: {  	[hbm4b:s11+s3] =	stream.linear.scatter [tilespmem:s20], [sflag:$0x1], $0x800, $0x38;
	[tilespmem:$0x9B80] =	vst v63  }
0x72: {  	s1 =	simm.s32 $0x800;
	s2 =	simm.s32 $0x100;
	s9 =	simm.s32 $0x1A80  }
0x73: {  	[hbm4b:s13+s3] =	stream.linear.scatter [tilespmem:s21], [sflag:$0x1], $0x800, $0x38;
	[tilespmem:$0x9B80] =	vst v63  }
.LBB2_4:
0x74: {  	v0 =	vld [tilespmem:s9+$0x0];
	_ =	sdelay $0x4  }
0x75: {  	v0 =	vmul.u32 $0x41, v0;
	_ =	sdelay $0x1  }
0x76: {  	v1 =	vadd.s32 $0x1, v0  }
0x77: {  	v2 =	vadd.s32 $0x2, v0  }
0x78: {  	v3 =	vadd.s32 $0x3, v0  }
0x79: {  	v4 =	vadd.s32 $0x4, v0  }
0x7a: {  	v6 =	vadd.s32 $0x5, v0;
	v5 =	vld.idx.msk [tilespmem:v0+s3+$0x0], $0xffff  }
0x7b: {  	v7 =	vadd.s32 $0x6, v0;
	v1 =	vld.idx.msk [tilespmem:v1+s3+$0x0], $0xffff  }
0x7c: {  	v8 =	vadd.s32 $0x7, v0;
	v2 =	vld.idx.msk [tilespmem:v2+s3+$0x0], $0xffff  }
0x7d: {  	v9 =	vadd.s32 $0x8, v0;
	v3 =	vld.idx.msk [tilespmem:v3+s3+$0x0], $0xffff  }
0x7e: {  	s11 =	sand.u32 $0x70, s2;
	s13 =	sand.u32 $0xC00, s1;
	v62 =	vadd.s32 $0x9, v0;
	v4 =	vld.idx.msk [tilespmem:v4+s3+$0x0], $0xffff  }
0x7f: {  	s11 =	sor.u32 s11, s13;
	v63 =	vadd.s32 $0xA, v0;
	v6 =	vld.idx.msk [tilespmem:v6+s3+$0x0], $0xffff  }
0x80: {  	v12 =	vadd.s32 $0xB, v0;
	v7 =	vld.idx.msk [tilespmem:v7+s3+$0x0], $0xffff;
	[tilespmem:s11+$0x1B80] =	vst v5  }
0x81: {  	v13 =	vadd.s32 $0xC, v0;
	v8 =	vld.idx.msk [tilespmem:v8+s3+$0x0], $0xffff;
	[tilespmem:s11+$0x1C00] =	vst v1  }
0x82: {  	v14 =	vadd.s32 $0xD, v0;
	v9 =	vld.idx.msk [tilespmem:v9+s3+$0x0], $0xffff;
	[tilespmem:s11+$0x1C80] =	vst v2  }
0x83: {  	v15 =	vadd.s32 $0xE, v0;
	v5 =	vld.idx.msk [tilespmem:v62+s3+$0x0], $0xffff;
	[tilespmem:s11+$0x1D00] =	vst v3  }
0x84: {  	v16 =	vadd.s32 $0xF, v0;
	v1 =	vld.idx.msk [tilespmem:v63+s3+$0x0], $0xffff;
	[tilespmem:s11+$0x1D80] =	vst v4  }
0x85: {  	s13 =	sor.u32 s1, s2;
	v17 =	vadd.s32 $0x10, v0;
	v2 =	vld.idx.msk [tilespmem:v12+s3+$0x0], $0xffff;
	[tilespmem:s11+$0x1E00] =	vst v6  }
0x86: {  	s13 =	sor.u32 $0x380, s13;
	v18 =	vadd.s32 $0x11, v0;
	v3 =	vld.idx.msk [tilespmem:v13+s3+$0x0], $0xffff;
	[tilespmem:s11+$0x1E80] =	vst v7  }
0x87: {  	v19 =	vadd.s32 $0x12, v0;
	v4 =	vld.idx.msk [tilespmem:v14+s3+$0x0], $0xffff;
	[tilespmem:s13+$0x1B80] =	vst v8  }
0x88: {  	v20 =	vadd.s32 $0x13, v0;
	v6 =	vld.idx.msk [tilespmem:v15+s3+$0x0], $0xffff;
	[tilespmem:s11+$0x2B80] =	vst v9  }
0x89: {  	v21 =	vadd.s32 $0x14, v0;
	v7 =	vld.idx.msk [tilespmem:v16+s3+$0x0], $0xffff;
	[tilespmem:s11+$0x2C00] =	vst v5  }
0x8a: {  	v22 =	vadd.s32 $0x15, v0;
	v8 =	vld.idx.msk [tilespmem:v17+s3+$0x0], $0xffff;
	[tilespmem:s11+$0x2C80] =	vst v1  }
0x8b: {  	v23 =	vadd.s32 $0x16, v0;
	v9 =	vld.idx.msk [tilespmem:v18+s3+$0x0], $0xffff;
	[tilespmem:s11+$0x2D00] =	vst v2  }
0x8c: {  	v24 =	vadd.s32 $0x17, v0;
	v5 =	vld.idx.msk [tilespmem:v19+s3+$0x0], $0xffff;
	[tilespmem:s11+$0x2D80] =	vst v3  }
0x8d: {  	v25 =	vadd.s32 $0x18, v0;
	v1 =	vld.idx.msk [tilespmem:v20+s3+$0x0], $0xffff;
	[tilespmem:s11+$0x2E00] =	vst v4  }
0x8e: {  	v26 =	vadd.s32 $0x19, v0;
	v2 =	vld.idx.msk [tilespmem:v21+s3+$0x0], $0xffff;
	[tilespmem:s11+$0x2E80] =	vst v6  }
0x8f: {  	v27 =	vadd.s32 $0x1A, v0;
	v3 =	vld.idx.msk [tilespmem:v22+s3+$0x0], $0xffff;
	[tilespmem:s11+$0x2F00] =	vst v7  }
0x90: {  	v28 =	vadd.s32 $0x1B, v0;
	v4 =	vld.idx.msk [tilespmem:v23+s3+$0x0], $0xffff;
	[tilespmem:s11+$0x3B80] =	vst v8  }
0x91: {  	v29 =	vadd.s32 $0x1C, v0;
	v6 =	vld.idx.msk [tilespmem:v24+s3+$0x0], $0xffff;
	[tilespmem:s11+$0x3C00] =	vst v9  }
0x92: {  	v30 =	vadd.s32 $0x1D, v0;
	v7 =	vld.idx.msk [tilespmem:v25+s3+$0x0], $0xffff;
	[tilespmem:s11+$0x3C80] =	vst v5  }
0x93: {  	v31 =	vadd.s32 $0x1E, v0;
	v8 =	vld.idx.msk [tilespmem:v26+s3+$0x0], $0xffff;
	[tilespmem:s11+$0x3D00] =	vst v1  }
0x94: {  	v32 =	vadd.s32 $0x1F, v0;
	v9 =	vld.idx.msk [tilespmem:v27+s3+$0x0], $0xffff;
	[tilespmem:s11+$0x3D80] =	vst v2  }
0x95: {  	v33 =	vadd.s32 $0x20, v0;
	v5 =	vld.idx.msk [tilespmem:v28+s3+$0x0], $0xffff;
	[tilespmem:s11+$0x3E00] =	vst v3  }
0x96: {  	v34 =	vadd.s32 $0x21, v0;
	v1 =	vld.idx.msk [tilespmem:v29+s3+$0x0], $0xffff;
	[tilespmem:s11+$0x3E80] =	vst v4  }
0x97: {  	v35 =	vadd.s32 $0x22, v0;
	v2 =	vld.idx.msk [tilespmem:v30+s3+$0x0], $0xffff;
	[tilespmem:s11+$0x3F00] =	vst v6  }
0x98: {  	v36 =	vadd.s32 $0x23, v0;
	v3 =	vld.idx.msk [tilespmem:v31+s3+$0x0], $0xffff;
	[tilespmem:s11+$0x4B80] =	vst v7  }
0x99: {  	v37 =	vadd.s32 $0x24, v0;
	v4 =	vld.idx.msk [tilespmem:v32+s3+$0x0], $0xffff;
	[tilespmem:s11+$0x4C00] =	vst v8  }
0x9a: {  	v38 =	vadd.s32 $0x25, v0;
	v6 =	vld.idx.msk [tilespmem:v33+s3+$0x0], $0xffff;
	[tilespmem:s11+$0x4C80] =	vst v9  }
0x9b: {  	v39 =	vadd.s32 $0x26, v0;
	v7 =	vld.idx.msk [tilespmem:v34+s3+$0x0], $0xffff;
	[tilespmem:s11+$0x4D00] =	vst v5  }
0x9c: {  	v40 =	vadd.s32 $0x27, v0;
	v8 =	vld.idx.msk [tilespmem:v35+s3+$0x0], $0xffff;
	[tilespmem:s11+$0x4D80] =	vst v1  }
0x9d: {  	v41 =	vadd.s32 $0x28, v0;
	v9 =	vld.idx.msk [tilespmem:v36+s3+$0x0], $0xffff;
	[tilespmem:s11+$0x4E00] =	vst v2  }
0x9e: {  	v42 =	vadd.s32 $0x29, v0;
	v5 =	vld.idx.msk [tilespmem:v37+s3+$0x0], $0xffff;
	[tilespmem:s11+$0x4E80] =	vst v3  }
0x9f: {  	v43 =	vadd.s32 $0x2A, v0;
	v1 =	vld.idx.msk [tilespmem:v38+s3+$0x0], $0xffff;
	[tilespmem:s11+$0x4F00] =	vst v4  }
0xa0: {  	v44 =	vadd.s32 $0x2B, v0;
	v2 =	vld.idx.msk [tilespmem:v39+s3+$0x0], $0xffff;
	[tilespmem:s11+$0x5B80] =	vst v6  }
0xa1: {  	v45 =	vadd.s32 $0x2C, v0;
	v3 =	vld.idx.msk [tilespmem:v40+s3+$0x0], $0xffff;
	[tilespmem:s11+$0x5C00] =	vst v7  }
0xa2: {  	v46 =	vadd.s32 $0x2D, v0;
	v4 =	vld.idx.msk [tilespmem:v41+s3+$0x0], $0xffff;
	[tilespmem:s11+$0x5C80] =	vst v8  }
0xa3: {  	v47 =	vadd.s32 $0x2E, v0;
	v6 =	vld.idx.msk [tilespmem:v42+s3+$0x0], $0xffff;
	[tilespmem:s11+$0x5D00] =	vst v9  }
0xa4: {  	v48 =	vadd.s32 $0x2F, v0;
	v7 =	vld.idx.msk [tilespmem:v43+s3+$0x0], $0xffff;
	[tilespmem:s11+$0x5D80] =	vst v5  }
0xa5: {  	v49 =	vadd.s32 $0x30, v0;
	v8 =	vld.idx.msk [tilespmem:v44+s3+$0x0], $0xffff;
	[tilespmem:s11+$0x5E00] =	vst v1  }
0xa6: {  	v50 =	vadd.s32 $0x31, v0;
	v9 =	vld.idx.msk [tilespmem:v45+s3+$0x0], $0xffff;
	[tilespmem:s11+$0x5E80] =	vst v2  }
0xa7: {  	v51 =	vadd.s32 $0x32, v0;
	v5 =	vld.idx.msk [tilespmem:v46+s3+$0x0], $0xffff;
	[tilespmem:s11+$0x5F00] =	vst v3  }
0xa8: {  	v52 =	vadd.s32 $0x33, v0;
	v1 =	vld.idx.msk [tilespmem:v47+s3+$0x0], $0xffff;
	[tilespmem:s11+$0x6B80] =	vst v4  }
0xa9: {  	v53 =	vadd.s32 $0x34, v0;
	v2 =	vld.idx.msk [tilespmem:v48+s3+$0x0], $0xffff;
	[tilespmem:s11+$0x6C00] =	vst v6  }
0xaa: {  	v54 =	vadd.s32 $0x35, v0;
	v3 =	vld.idx.msk [tilespmem:v49+s3+$0x0], $0xffff;
	[tilespmem:s11+$0x6C80] =	vst v7  }
0xab: {  	v55 =	vadd.s32 $0x36, v0;
	v4 =	vld.idx.msk [tilespmem:v50+s3+$0x0], $0xffff;
	[tilespmem:s11+$0x6D00] =	vst v8  }
0xac: {  	v56 =	vadd.s32 $0x37, v0;
	v6 =	vld.idx.msk [tilespmem:v51+s3+$0x0], $0xffff;
	[tilespmem:s11+$0x6D80] =	vst v9  }
0xad: {  	v57 =	vadd.s32 $0x38, v0;
	v7 =	vld.idx.msk [tilespmem:v52+s3+$0x0], $0xffff;
	[tilespmem:s11+$0x6E00] =	vst v5  }
0xae: {  	v58 =	vadd.s32 $0x39, v0;
	v8 =	vld.idx.msk [tilespmem:v53+s3+$0x0], $0xffff;
	[tilespmem:s11+$0x6E80] =	vst v1  }
0xaf: {  	v59 =	vadd.s32 $0x3A, v0;
	v9 =	vld.idx.msk [tilespmem:v54+s3+$0x0], $0xffff;
	[tilespmem:s11+$0x6F00] =	vst v2  }
0xb0: {  	v60 =	vadd.s32 $0x3B, v0;
	v5 =	vld.idx.msk [tilespmem:v55+s3+$0x0], $0xffff;
	[tilespmem:s11+$0x7B80] =	vst v3  }
0xb1: {  	v61 =	vadd.s32 $0x3C, v0;
	v1 =	vld.idx.msk [tilespmem:v56+s3+$0x0], $0xffff;
	[tilespmem:s11+$0x7C00] =	vst v4  }
0xb2: {  	v62 =	vadd.s32 $0x3D, v0;
	v2 =	vld.idx.msk [tilespmem:v57+s3+$0x0], $0xffff;
	[tilespmem:s11+$0x7C80] =	vst v6  }
0xb3: {  	v63 =	vadd.s32 $0x3E, v0;
	v3 =	vld.idx.msk [tilespmem:v58+s3+$0x0], $0xffff;
	[tilespmem:s11+$0x7D00] =	vst v7  }
0xb4: {  	v0 =	vadd.s32 $0x3F, v0;
	v4 =	vld.idx.msk [tilespmem:v59+s3+$0x0], $0xffff;
	[tilespmem:s11+$0x7D80] =	vst v8  }
0xb5: {  	v6 =	vld.idx.msk [tilespmem:v60+s3+$0x0], $0xffff;
	[tilespmem:s11+$0x7E00] =	vst v9  }
0xb6: {  	v7 =	vld.idx.msk [tilespmem:v61+s3+$0x0], $0xffff;
	[tilespmem:s11+$0x7E80] =	vst v5  }
0xb7: {  	v5 =	vld.idx.msk [tilespmem:v62+s3+$0x0], $0xffff;
	[tilespmem:s11+$0x7F00] =	vst v1  }
0xb8: {  	v1 =	vld.idx.msk [tilespmem:v63+s3+$0x0], $0xffff;
	[tilespmem:s11+$0x8B80] =	vst v2  }
0xb9: {  	v0 =	vld.idx.msk [tilespmem:v0+s3+$0x0], $0xffff;
	[tilespmem:s11+$0x8C00] =	vst v3  }
0xba: {  	p0 =	sne.s32 s2, $0x1F0;
	[tilespmem:s11+$0x8C80] =	vst v4  }
.Ltmp1:
0xbb: {  	[tilespmem:s11+$0x8D00] =	vst v6;
	(pc) =	sbr.rel @p0 .LBB2_4-.Ltmp1, $4  }
0xbc: {  	[tilespmem:s11+$0x8D80] =	vst v7  }
0xbd: {  	[tilespmem:s11+$0x8E00] =	vst v5  }
0xbe: {  	[tilespmem:s11+$0x8E80] =	vst v1  }
0xbf: {  	s9 =	sadd.s32 $0x10, s9;
	s1 =	sadd.s32 $0x80, s1;
	s2 =	sadd.s32 $0x10, s2;
	[tilespmem:s11+$0x8F00] =	vst v0  }
0xc0: {  	[hbm4b:s6+s3] =	stream.linear.scatter [tilespmem:s22], [sflag:$0x1], $0x800, $0x38;
	[tilespmem:$0x9B80] =	vst v63  }
0xc1: {  	s1 =	sadd.s32 $0x4000, s6  }
0xc2: {  	[hbm4b:s1+s3] =	stream.linear.scatter [tilespmem:s23], [sflag:$0x1], $0x800, $0x38;
	[tilespmem:$0x9B80] =	vst v63  }
0xc3: {  	s11 =	sadd.s32 $0x8000, s6  }
0xc4: {  	[hbm4b:s11+s3] =	stream.linear.scatter [tilespmem:s24], [sflag:$0x1], $0x800, $0x38;
	[tilespmem:$0x9B80] =	vst v63  }
0xc5: {  	s13 =	sadd.s32 $0xC000, s6  }
0xc6: {  	[hbm4b:s13+s3] =	stream.linear.scatter [tilespmem:s25], [sflag:$0x1], $0x800, $0x38;
	[tilespmem:$0x9B80] =	vst v63  }
0xc7: {  	s2 =	sadd.s32 $0x10000, s6  }
0xc8: {  	[hbm4b:s2+s3] =	stream.linear.scatter [tilespmem:s26], [sflag:$0x1], $0x800, $0x38;
	[tilespmem:$0x9B80] =	vst v63  }
0xc9: {  	s9 =	sadd.s32 $0x14000, s6  }
0xca: {  	[hbm4b:s9+s3] =	stream.linear.scatter [tilespmem:s28], [sflag:$0x1], $0x800, $0x38;
	[tilespmem:$0x9B80] =	vst v63  }
0xcb: {  	s11 =	sadd.s32 $0x18000, s6  }
0xcc: {  	[hbm4b:s11+s3] =	stream.linear.scatter [tilespmem:s29], [sflag:$0x1], $0x800, $0x38;
	[tilespmem:$0x9B80] =	vst v63  }
0xcd: {  	s0 =	sadd.s32 $0x1, s0;
	s13 =	sadd.s32 $0x1C000, s6  }
0xce: {  	[hbm4b:s13+s3] =	stream.linear.scatter [tilespmem:s30], [sflag:$0x1], $0x800, $0x38;
	[tilespmem:$0x9B80] =	vst v63  }
0xcf: {  	p0 =	sne.s32 s0, s7;
	_ =	swait.ge [sflag:s31], $0x4000  }
.Ltmp2:
0xd0: {  	[sflag:s31] =	ssyncset.done $0x0;
	(pc) =	sbr.rel @p0 .LBB2_1-.Ltmp2, $4  }
0xd1: {  	[sflag:s31] =	ssyncadd.s32 $0xFFFFC000  }
0xd2: {  	_ =	swait.ge [sflag:s31], $0x4000  }
0xd3: {  	[sflag:s31] =	ssyncset.done $0x0  }
0xd4: {  	[sflag:s31] =	ssyncadd.s32 $0xFFFFC000  }
0xd5: {  	_ =	sfence.sel $0x180000  }
0xd6: {  	[bflag:$0x0] =	sbarrier.arrive $0xFFFF  }
0xd7: {  	_ =	strace $0x90000047  }
0xd8: {  	s0 =	stileid.u32;
	[bflag:$0x2] =	sbarrier.arrive $0xFFFF  }
0xd9: {  	p0 =	sne.s32 s0, $0x0;
	s0 =	rddreg [dreg:$0x3]  }
0xda: {  	s0 =	sadd.s32 @!p0 $0x100000, s0  }
0xdb: {  	[sflag:s0] =	ssyncadd.tile.s32 @!p0 $0x1;
	_ =	shalt  }
.Lfunc_end2:
_tile_overlayer_lowered:
.L_overlay_start_2:
0xdc: {  	(tag) =	ssettag $0x2  }
0xdd: {  	s0 =	rddreg [dreg:$0x0];
	s2 =	stileid.u32  }
0xde: {  	s1 =	rddreg [dreg:$0x1];
	p0 =	sne.s32 s2, $0x0  }
0xdf: {  	s3 =	rddreg [dreg:$0x2];
	[bflag:$0x3] =	sbarrier.arrive $0xFFFF;
	s2 =	simm.s32 @!p0 $0x1C02  }
0xe0: {  	[timem:s3], [sflag:s2] =	dma.local @!p0 [hbm:s0], s1  }
0xe1: {  	s0 =	simm.s32 @!p0 $0x2  }
0xe2: {  	_ =	swait.ge @!p0 [sflag:s0], s1  }
0xe3: {  	s1 =	ssub.s32 @!p0 $0x0, s1;
	[sflag:s0] =	ssyncset.done @!p0 $0x0  }
0xe4: {  	[sflag:s0] =	ssyncadd.s32 @!p0 s1  }
0xe5: {  	[bflag:$0x3] =	sbarrier.arrive $0xFFFF  }
0xe6: {  	_ =	shalt  }

</sc_bundles>
